<compile_context>
chip_gen: v7x
topology: tpu7x:2x2x1
jax: 0.10.2.dev20260603
libtpu: 0.0.44.dev20260713+nightly
codegen_flags: <defaults>
</compile_context>

<pallas_src>
import functools

import jax
import jax.numpy as jnp
from jax import lax
from jax.experimental import pallas as pl
from jax.experimental.pallas import tpu as pltpu
from jax.experimental.pallas import tpu_sc as plsc

_NC = 2
_NS = 16
_NW = _NC * _NS

_CH = 128
_K = 2
_BLK = _K * _CH
_NBUF = 2


@functools.partial(jax.jit, static_argnums=(2, 3, 4, 5))
def _gather_flat(idx2d, table, n_rows, bb, per_w, n_outer):
    hb = bb // 2
    mesh = plsc.VectorSubcoreMesh(core_axis_name="c", subcore_axis_name="s")

    @functools.partial(
        pl.kernel,
        out_type=jax.ShapeDtypeStruct((n_rows // 2, 128), jnp.float32),
        mesh=mesh,
        scratch_types=[
            pltpu.VMEM((_NBUF * _K, _CH), jnp.int32),
            pltpu.VMEM((_NBUF, _BLK, 64), jnp.float32),
            pltpu.SemaphoreType.DMA,
            pltpu.SemaphoreType.DMA,
            pltpu.SemaphoreType.DMA,
        ],
        compiler_params=pltpu.CompilerParams(use_tc_tiling_on_sc=False),
    )
    def emb(idx_hbm, table_hbm, out_hbm, idx_v, rows_v, gsem, wsem0, wsem1):
        wid = lax.axis_index("s") * _NC + lax.axis_index("c")
        base = wid * per_w
        wsems = (wsem0, wsem1)

        def dst_slice(row0):
            cl = row0 // bb
            within = row0 % bb
            half = within // hb
            q0 = pl.multiple_of(cl * hb + within % hb, _BLK)
            return out_hbm.at[
                pl.ds(q0, _BLK), pl.ds(pl.multiple_of(half * 64, 64), 64)
            ]

        def body(i, carry):
            row0 = pl.multiple_of(base + i * (_NBUF * _BLK), _NBUF * _BLK)
            pltpu.sync_copy(
                idx_hbm.at[
                    pl.ds(pl.multiple_of(row0 // _CH, _NBUF * _K), _NBUF * _K)
                ],
                idx_v,
            )
            all_cps = []
            for p in range(_NBUF):
                rp = rows_v.at[p]
                @pl.when(i > 0)
                def _():
                    pltpu.make_async_copy(
                        rp, dst_slice(row0 + p * _BLK), wsems[p]
                    ).wait()

                all_cps.append(
                    [
                        pltpu.async_copy(
                            table_hbm.at[idx_v.at[p * _K + j]],
                            rp.at[pl.ds(j * _CH, _CH)],
                            gsem,
                        )
                        for j in range(_K)
                    ]
                )
            for p in range(_NBUF):
                for cp in all_cps[p]:
                    cp.wait()
                pltpu.async_copy(
                    rows_v.at[p], dst_slice(row0 + p * _BLK), wsems[p]
                )
            return carry

        lax.fori_loop(0, n_outer, body, 0)
        tail0 = base + (n_outer - 1) * (_NBUF * _BLK)
        for p in range(_NBUF):
            pltpu.make_async_copy(
                rows_v.at[p], dst_slice(tail0 + p * _BLK), wsems[p]
            ).wait()

    return emb(idx2d, table)


def _transpose_block(x_ref, o_ref):
    hb = x_ref.shape[0] // 4
    for u in range(4):
        t = jnp.transpose(x_ref[u * hb : (u + 1) * hb, :], (1, 0))
        o_ref[u, :, 0:hb] = t[0:64]
        o_ref[u, :, hb : 2 * hb] = t[64:128]


def _transpose_block_acc(x_ref, b_ref, o_ref):
    del b_ref
    _transpose_block(x_ref, o_ref)


@functools.partial(jax.jit, static_argnums=(2, 3, 4, 5, 6, 7))
def _repack_chunk(rows2d, buf, bb, ll, nl, d, comp, l_off):
    out_shape = jax.ShapeDtypeStruct((ll, 3 * d, bb), jnp.float32)
    out_spec = pl.BlockSpec(
        (4, d, bb), lambda i, comp=comp, l_off=l_off: (i + l_off // 4, comp, 0)
    )
    in_spec = pl.BlockSpec((2 * bb, 128), lambda i: (i, 0))
    if buf is None:
        return pl.pallas_call(
            _transpose_block,
            grid=(nl // 4,),
            in_specs=[in_spec],
            out_specs=out_spec,
            out_shape=out_shape,
        )(rows2d)
    return pl.pallas_call(
        _transpose_block_acc,
        grid=(nl // 4,),
        in_specs=[in_spec, pl.BlockSpec(memory_space=pl.ANY)],
        out_specs=out_spec,
        out_shape=out_shape,
        input_output_aliases={1: 0},
    )(rows2d, buf)


def kernel(phoneme_tensor, embedding_weight):
    b, l, c = phoneme_tensor.shape
    v, d = embedding_weight.shape
    n = b * l * c
    assert c == 3 and d == 64
    n_chunks = 2 * c
    nl = l // 2
    nc = n // n_chunks
    per_w = nc // _NW
    n_outer = per_w // (_NBUF * _BLK)
    assert per_w * _NW == nc and n_outer * _NBUF * _BLK == per_w
    assert (b // 2) % _BLK == 0
    idxt = jnp.transpose(phoneme_tensor.astype(jnp.int32), (2, 1, 0))
    idx2d = idxt.reshape(n // _CH, _CH)
    rows_per_chunk = nc // _CH
    buf = None
    for h in range(n_chunks):
        idx_h = lax.slice_in_dim(
            idx2d, h * rows_per_chunk, (h + 1) * rows_per_chunk, axis=0
        )
        rows2d = _gather_flat(idx_h, embedding_weight, nc, b, per_w, n_outer)
        buf = _repack_chunk(
            rows2d, buf, b, l, nl, d, h // 2, (h % 2) * nl
        )
    return jnp.transpose(buf, (2, 0, 1))

# --- scband reference (transcript-rebuilt; emitter-appended) ---
"""Pipeline reference for scband-phoneme-embedding-80702435492500 (READ-ONLY COPY).

The authoritative reference and input builder live on the scoring server;
editing this copy changes nothing except your own understanding.
"""

import jax, jax.numpy as jnp
import numpy as np

VOCAB = 100000
EMBED_DIM = 64
B = 4096
L = 200

def setup_inputs(seed: int = 0) -> dict:
    key = jax.random.key(seed)
    k1, k2 = jax.random.split(key)
    phoneme_tensor = jax.random.randint(k1, (B, L, 3), 0, VOCAB, dtype=jnp.int64 if jax.config.jax_enable_x64 else jnp.int32)
    embedding_weight = jax.random.normal(k2, (VOCAB, EMBED_DIM), dtype=jnp.float32)
    return {"phoneme_tensor": phoneme_tensor, "embedding_weight": embedding_weight}

def reference(phoneme_tensor, embedding_weight):
    onset_indices = phoneme_tensor[:, :, 0]
    rhyme_indices = phoneme_tensor[:, :, 1]
    tone_indices = phoneme_tensor[:, :, 2]
    onset_emb = jnp.take(embedding_weight, onset_indices, axis=0)
    rhyme_emb = jnp.take(embedding_weight, rhyme_indices, axis=0)
    tone_emb = jnp.take(embedding_weight, tone_indices, axis=0)
    word_embeddings = jnp.concatenate((onset_emb, rhyme_emb, tone_emb), axis=-1)
    return word_embeddings

if __name__ == "__main__":
    import jax
    _d = setup_inputs()
    print(jax.jit(kernel)(*tuple(_d.values())))

</pallas_src>

<mosaic_0001>
#map = affine_map<(d0, d1) -> (0, 0)>
module attributes {stable_mosaic.version = 14 : i64} {
  func.func @emb(%arg0: i32, %arg1: i32, %arg2: memref<3200x128xi32, #tpu.memory_space<hbm>>, %arg3: memref<100000x64xf32, #tpu.memory_space<hbm>>, %arg4: memref<204800x128xf32, #tpu.memory_space<hbm>>, %arg5: memref<4x128xi32, #tpu.memory_space<vmem>>, %arg6: memref<2x256x64xf32, #tpu.memory_space<vmem>>, %arg7: memref<!tpu.dma_semaphore, #tpu.memory_space<semaphore_mem>>, %arg8: memref<!tpu.dma_semaphore, #tpu.memory_space<semaphore_mem>>, %arg9: memref<!tpu.dma_semaphore, #tpu.memory_space<semaphore_mem>>) attributes {dimension_semantics = [#tpu.dimension_semantics<core_parallel>, #tpu.dimension_semantics<subcore_parallel>], iteration_bounds = array<i64: 2, 16>, scalar_prefetch = 0 : i64, scratch_operands = 5 : i64, tpu.core_type = #tpu.core_type<sc_vector_subcore>, window_params = [{transform_indices = #map}, {transform_indices = #map}, {transform_indices = #map}]} {
    %mul3A = arith.constant 2 : i32
    %mul3A_0 = arith.muli %arg1, %mul3A : i32
    %add3A = arith.addi %mul3A_0, %arg0 : i32
    %mul3A_1 = arith.constant 12800 : i32
    %mul3A_2 = arith.muli %add3A, %mul3A_1 : i32
    %scan3A = arith.constant 0 : i32
    %scan3A_3 = arith.constant 0 : i32
    %scan3A_4 = arith.constant 25 : i32
    %scan3A_5 = arith.addi %scan3A_3, %scan3A_4 : i32
    %scan3A_6 = arith.constant 1 : i32
    scf.for %scan3A_198 = %scan3A_3 to %scan3A_5 step %scan3A_6  : i32 {
      %mul3A_199 = arith.constant 512 : i32
      %mul3A_200 = arith.muli %scan3A_198, %mul3A_199 : i32
      %add3A_201 = arith.addi %mul3A_2, %mul3A_200 : i32
      %multiple_of3A_202 = tpu.assume_multiple %add3A_201, 512 : i32
      %jit3A_203 = arith.constant 128 : i32
      %div3A_204 = arith.divsi %multiple_of3A_202, %jit3A_203 : i32
      %sign3A_205 = arith.constant 0 : i32
      %sign3A_206 = arith.cmpi sgt, %multiple_of3A_202, %sign3A_205 : i32
      %sign3A_207 = arith.extui %sign3A_206 : i1 to i32
      %sign3A_208 = arith.constant 0 : i32
      %sign3A_209 = arith.cmpi slt, %multiple_of3A_202, %sign3A_208 : i32
      %sign3A_210 = arith.extui %sign3A_209 : i1 to i32
      %sign3A_211 = arith.subi %sign3A_207, %sign3A_210 : i32
      %sign3A_212 = arith.constant 0 : i32
      %sign3A_213 = arith.cmpi sgt, %jit3A_203, %sign3A_212 : i32
      %sign3A_214 = arith.extui %sign3A_213 : i1 to i32
      %sign3A_215 = arith.constant 0 : i32
      %sign3A_216 = arith.cmpi slt, %jit3A_203, %sign3A_215 : i32
      %sign3A_217 = arith.extui %sign3A_216 : i1 to i32
      %sign3A_218 = arith.subi %sign3A_214, %sign3A_217 : i32
      %ne3A_219 = arith.cmpi ne, %sign3A_211, %sign3A_218 : i32
      %rem3A_220 = arith.remsi %multiple_of3A_202, %jit3A_203 : i32
      %ne3A_221 = arith.constant 0 : i32
      %ne3A_222 = arith.cmpi ne, %rem3A_220, %ne3A_221 : i32
      %and3A_223 = arith.andi %ne3A_219, %ne3A_222 : i1
      %sub3A_224 = arith.constant 1 : i32
      %sub3A_225 = arith.subi %div3A_204, %sub3A_224 : i32
      %select_n3A_226 = arith.select %and3A_223, %sub3A_225, %div3A_204 : i32
      %multiple_of3A_227 = tpu.assume_multiple %select_n3A_226, 4 : i32
      "tpu.region"() ({
        %run_scoped3A = tpu.sem_alloc : memref<!tpu.dma_semaphore, #tpu.memory_space<semaphore_mem>>
        %dma_start3A_556 = arith.constant 0 : i32
        %dma_start3A_557 = tpu.memref_slice %arg2[%multiple_of3A_227, %dma_start3A_556] : memref<3200x128xi32, #tpu.memory_space<hbm>> -> memref<4x128xi32, #tpu.memory_space<hbm>>
        %dma_start3A_558 = arith.constant 0 : i32
        %dma_start3A_559 = tpu.memref_slice %arg2[%multiple_of3A_227, %dma_start3A_558] : memref<3200x128xi32, #tpu.memory_space<hbm>> -> memref<4x128xi32, #tpu.memory_space<hbm>>
        tpu.enqueue_dma source(%dma_start3A_559 : memref<4x128xi32, #tpu.memory_space<hbm>>) target(%arg5 : memref<4x128xi32, #tpu.memory_space<vmem>>) target_semaphore(%run_scoped3A : memref<!tpu.dma_semaphore, #tpu.memory_space<semaphore_mem>>)
        %dma_wait3A_560 = arith.constant 0 : i32
        %dma_wait3A_561 = tpu.memref_slice %arg2[%multiple_of3A_227, %dma_wait3A_560] : memref<3200x128xi32, #tpu.memory_space<hbm>> -> memref<4x128xi32, #tpu.memory_space<hbm>>
        %dma_wait3A_562 = arith.constant 0 : i32
        %dma_wait3A_563 = tpu.memref_slice %arg2[%multiple_of3A_227, %dma_wait3A_562] : memref<3200x128xi32, #tpu.memory_space<hbm>> -> memref<4x128xi32, #tpu.memory_space<hbm>>
        tpu.wait_dma2 semaphore(%run_scoped3A : memref<!tpu.dma_semaphore, #tpu.memory_space<semaphore_mem>>) src(%dma_wait3A_563 : memref<4x128xi32, #tpu.memory_space<hbm>>) dst(%arg5 : memref<4x128xi32, #tpu.memory_space<vmem>>)
        tpu.yield
      }) : () -> ()
      %gt3A = arith.constant 0 : i32
      %gt3A_228 = arith.cmpi sgt, %scan3A_198, %gt3A : i32
      %convert_element_type3A = arith.extui %gt3A_228 : i1 to i32
      %cond3A = arith.constant 0 : i32
      %cond3A_229 = arith.constant 0 : i32
      %cond3A_230 = arith.cmpi ne, %convert_element_type3A, %cond3A_229 : i32
      scf.if %cond3A_230 {
        %add3A_556 = arith.constant 0 : i32
        %add3A_557 = arith.addi %multiple_of3A_202, %add3A_556 : i32
        %jit3A_558 = arith.constant 4096 : i32
        %div3A_559 = arith.divsi %add3A_557, %jit3A_558 : i32
        %sign3A_560 = arith.constant 0 : i32
        %sign3A_561 = arith.cmpi sgt, %add3A_557, %sign3A_560 : i32
        %sign3A_562 = arith.extui %sign3A_561 : i1 to i32
        %sign3A_563 = arith.constant 0 : i32
        %sign3A_564 = arith.cmpi slt, %add3A_557, %sign3A_563 : i32
        %sign3A_565 = arith.extui %sign3A_564 : i1 to i32
        %sign3A_566 = arith.subi %sign3A_562, %sign3A_565 : i32
        %sign3A_567 = arith.constant 0 : i32
        %sign3A_568 = arith.cmpi sgt, %jit3A_558, %sign3A_567 : i32
        %sign3A_569 = arith.extui %sign3A_568 : i1 to i32
        %sign3A_570 = arith.constant 0 : i32
        %sign3A_571 = arith.cmpi slt, %jit3A_558, %sign3A_570 : i32
        %sign3A_572 = arith.extui %sign3A_571 : i1 to i32
        %sign3A_573 = arith.subi %sign3A_569, %sign3A_572 : i32
        %ne3A_574 = arith.cmpi ne, %sign3A_566, %sign3A_573 : i32
        %rem3A_575 = arith.remsi %add3A_557, %jit3A_558 : i32
        %ne3A_576 = arith.constant 0 : i32
        %ne3A_577 = arith.cmpi ne, %rem3A_575, %ne3A_576 : i32
        %and3A_578 = arith.andi %ne3A_574, %ne3A_577 : i1
        %sub3A_579 = arith.constant 1 : i32
        %sub3A_580 = arith.subi %div3A_559, %sub3A_579 : i32
        %select_n3A_581 = arith.select %and3A_578, %sub3A_580, %div3A_559 : i32
        %jit3A_582 = arith.constant 4096 : i32
        %eq3A_583 = arith.constant 0 : i32
        %eq3A_584 = arith.cmpi eq, %jit3A_582, %eq3A_583 : i32
        %jit3A_585 = arith.constant 1 : i32
        %select_n3A_586 = arith.select %eq3A_584, %jit3A_585, %jit3A_582 : i32
        %rem3A_587 = arith.remsi %add3A_557, %select_n3A_586 : i32
        %ne3A_588 = arith.constant 0 : i32
        %ne3A_589 = arith.cmpi ne, %rem3A_587, %ne3A_588 : i32
        %lt3A_590 = arith.constant 0 : i32
        %lt3A_591 = arith.cmpi slt, %rem3A_587, %lt3A_590 : i32
        %lt3A_592 = arith.constant 0 : i32
        %lt3A_593 = arith.cmpi slt, %select_n3A_586, %lt3A_592 : i32
        %ne3A_594 = arith.xori %lt3A_591, %lt3A_593 : i1
        %and3A_595 = arith.andi %ne3A_594, %ne3A_589 : i1
        %add3A_596 = arith.addi %rem3A_587, %select_n3A_586 : i32
        %select_n3A_597 = arith.select %and3A_595, %add3A_596, %rem3A_587 : i32
        %jit3A_598 = arith.constant 2048 : i32
        %div3A_599 = arith.divsi %select_n3A_597, %jit3A_598 : i32
        %sign3A_600 = arith.constant 0 : i32
        %sign3A_601 = arith.cmpi sgt, %select_n3A_597, %sign3A_600 : i32
        %sign3A_602 = arith.extui %sign3A_601 : i1 to i32
        %sign3A_603 = arith.constant 0 : i32
        %sign3A_604 = arith.cmpi slt, %select_n3A_597, %sign3A_603 : i32
        %sign3A_605 = arith.extui %sign3A_604 : i1 to i32
        %sign3A_606 = arith.subi %sign3A_602, %sign3A_605 : i32
        %sign3A_607 = arith.constant 0 : i32
        %sign3A_608 = arith.cmpi sgt, %jit3A_598, %sign3A_607 : i32
        %sign3A_609 = arith.extui %sign3A_608 : i1 to i32
        %sign3A_610 = arith.constant 0 : i32
        %sign3A_611 = arith.cmpi slt, %jit3A_598, %sign3A_610 : i32
        %sign3A_612 = arith.extui %sign3A_611 : i1 to i32
        %sign3A_613 = arith.subi %sign3A_609, %sign3A_612 : i32
        %ne3A_614 = arith.cmpi ne, %sign3A_606, %sign3A_613 : i32
        %rem3A_615 = arith.remsi %select_n3A_597, %jit3A_598 : i32
        %ne3A_616 = arith.constant 0 : i32
        %ne3A_617 = arith.cmpi ne, %rem3A_615, %ne3A_616 : i32
        %and3A_618 = arith.andi %ne3A_614, %ne3A_617 : i1
        %sub3A_619 = arith.constant 1 : i32
        %sub3A_620 = arith.subi %div3A_599, %sub3A_619 : i32
        %select_n3A_621 = arith.select %and3A_618, %sub3A_620, %div3A_599 : i32
        %mul3A_622 = arith.constant 2048 : i32
        %mul3A_623 = arith.muli %select_n3A_581, %mul3A_622 : i32
        %jit3A_624 = arith.constant 2048 : i32
        %eq3A_625 = arith.constant 0 : i32
        %eq3A_626 = arith.cmpi eq, %jit3A_624, %eq3A_625 : i32
        %jit3A_627 = arith.constant 1 : i32
        %select_n3A_628 = arith.select %eq3A_626, %jit3A_627, %jit3A_624 : i32
        %rem3A_629 = arith.remsi %select_n3A_597, %select_n3A_628 : i32
        %ne3A_630 = arith.constant 0 : i32
        %ne3A_631 = arith.cmpi ne, %rem3A_629, %ne3A_630 : i32
        %lt3A_632 = arith.constant 0 : i32
        %lt3A_633 = arith.cmpi slt, %rem3A_629, %lt3A_632 : i32
        %lt3A_634 = arith.constant 0 : i32
        %lt3A_635 = arith.cmpi slt, %select_n3A_628, %lt3A_634 : i32
        %ne3A_636 = arith.xori %lt3A_633, %lt3A_635 : i1
        %and3A_637 = arith.andi %ne3A_636, %ne3A_631 : i1
        %add3A_638 = arith.addi %rem3A_629, %select_n3A_628 : i32
        %select_n3A_639 = arith.select %and3A_637, %add3A_638, %rem3A_629 : i32
        %add3A_640 = arith.addi %mul3A_623, %select_n3A_639 : i32
        %multiple_of3A_641 = tpu.assume_multiple %add3A_640, 256 : i32
        %mul3A_642 = arith.constant 64 : i32
        %mul3A_643 = arith.muli %select_n3A_621, %mul3A_642 : i32
        %multiple_of3A_644 = tpu.assume_multiple %mul3A_643, 64 : i32
        %dma_wait3A_645 = arith.constant 0 : i32
        %dma_wait3A_646 = arith.constant 0 : i32
        %dma_wait3A_647 = tpu.memref_slice %arg6[%cond3A, %dma_wait3A_645, %dma_wait3A_646] : memref<2x256x64xf32, #tpu.memory_space<vmem>> -> memref<1x256x64xf32, #tpu.memory_space<vmem>>
        %dma_wait3A_648 = tpu.memref_squeeze %dma_wait3A_647 : memref<1x256x64xf32, #tpu.memory_space<vmem>> -> memref<256x64xf32, #tpu.memory_space<vmem>>
        %dma_wait3A_649 = tpu.memref_slice %arg4[%multiple_of3A_641, %multiple_of3A_644] : memref<204800x128xf32, #tpu.memory_space<hbm>> -> memref<256x64xf32, #tpu.memory_space<hbm>>
        %dma_wait3A_650 = tpu.memref_slice %arg4[%multiple_of3A_641, %multiple_of3A_644] : memref<204800x128xf32, #tpu.memory_space<hbm>> -> memref<256x64xf32, #tpu.memory_space<hbm>>
        %dma_wait3A_651 = arith.constant 0 : i32
        %dma_wait3A_652 = arith.constant 0 : i32
        %dma_wait3A_653 = tpu.memref_slice %arg6[%cond3A, %dma_wait3A_651, %dma_wait3A_652] : memref<2x256x64xf32, #tpu.memory_space<vmem>> -> memref<1x256x64xf32, #tpu.memory_space<vmem>>
        %dma_wait3A_654 = tpu.memref_squeeze %dma_wait3A_653 : memref<1x256x64xf32, #tpu.memory_space<vmem>> -> memref<256x64xf32, #tpu.memory_space<vmem>>
        tpu.wait_dma2 semaphore(%arg8 : memref<!tpu.dma_semaphore, #tpu.memory_space<semaphore_mem>>) src(%dma_wait3A_654 : memref<256x64xf32, #tpu.memory_space<vmem>>) dst(%dma_wait3A_650 : memref<256x64xf32, #tpu.memory_space<hbm>>)
      } else {
      }
      %dma_start3A = arith.constant 0 : i32
      %dma_start3A_231 = arith.constant 0 : i32
      %dma_start3A_232 = arith.constant 0 : i32
      %dma_start3A_233 = arith.constant 0 : i32
      %dma_start3A_234 = tpu.memref_slice %arg6[%dma_start3A_231, %dma_start3A_232, %dma_start3A_233] : memref<2x256x64xf32, #tpu.memory_space<vmem>> -> memref<1x256x64xf32, #tpu.memory_space<vmem>>
      %dma_start3A_235 = tpu.memref_squeeze %dma_start3A_234 : memref<1x256x64xf32, #tpu.memory_space<vmem>> -> memref<256x64xf32, #tpu.memory_space<vmem>>
      %dma_start3A_236 = arith.constant 0 : i32
      %dma_start3A_237 = arith.constant 0 : i32
      %dma_start3A_238 = tpu.memref_slice %dma_start3A_235[%dma_start3A_236, %dma_start3A_237] : memref<256x64xf32, #tpu.memory_space<vmem>> -> memref<128x64xf32, #tpu.memory_space<vmem>>
      %dma_start3A_239 = arith.constant 0 : i32
      %dma_start3A_240 = tpu.memref_slice %arg5[%dma_start3A, %dma_start3A_239] : memref<4x128xi32, #tpu.memory_space<vmem>> -> memref<1x128xi32, #tpu.memory_space<vmem>>
      %dma_start3A_241 = tpu.memref_squeeze %dma_start3A_240 : memref<1x128xi32, #tpu.memory_space<vmem>> -> memref<128xi32, #tpu.memory_space<vmem>>
      %dma_start3A_242 = arith.constant 0 : i32
      %dma_start3A_243 = arith.constant 0 : i32
      %dma_start3A_244 = tpu.memref_slice %arg3[%dma_start3A_242, %dma_start3A_243] : memref<100000x64xf32, #tpu.memory_space<hbm>> -> memref<100000x64xf32, #tpu.memory_space<hbm>>
      tpu.enqueue_indirect_dma source(%dma_start3A_244 : memref<100000x64xf32, #tpu.memory_space<hbm>>) target(%dma_start3A_238 : memref<128x64xf32, #tpu.memory_space<vmem>>) offsets(%dma_start3A_241 : memref<128xi32, #tpu.memory_space<vmem>>) semaphore(%arg7 : memref<!tpu.dma_semaphore, #tpu.memory_space<semaphore_mem>>)
      %dma_start3A_245 = arith.constant 1 : i32
      %dma_start3A_246 = arith.constant 0 : i32
      %dma_start3A_247 = arith.constant 0 : i32
      %dma_start3A_248 = arith.constant 0 : i32
      %dma_start3A_249 = tpu.memref_slice %arg6[%dma_start3A_246, %dma_start3A_247, %dma_start3A_248] : memref<2x256x64xf32, #tpu.memory_space<vmem>> -> memref<1x256x64xf32, #tpu.memory_space<vmem>>
      %dma_start3A_250 = tpu.memref_squeeze %dma_start3A_249 : memref<1x256x64xf32, #tpu.memory_space<vmem>> -> memref<256x64xf32, #tpu.memory_space<vmem>>
      %dma_start3A_251 = arith.constant 128 : i32
      %dma_start3A_252 = arith.constant 0 : i32
      %dma_start3A_253 = tpu.memref_slice %dma_start3A_250[%dma_start3A_251, %dma_start3A_252] : memref<256x64xf32, #tpu.memory_space<vmem>> -> memref<128x64xf32, #tpu.memory_space<vmem>>
      %dma_start3A_254 = arith.constant 0 : i32
      %dma_start3A_255 = tpu.memref_slice %arg5[%dma_start3A_245, %dma_start3A_254] : memref<4x128xi32, #tpu.memory_space<vmem>> -> memref<1x128xi32, #tpu.memory_space<vmem>>
      %dma_start3A_256 = tpu.memref_squeeze %dma_start3A_255 : memref<1x128xi32, #tpu.memory_space<vmem>> -> memref<128xi32, #tpu.memory_space<vmem>>
      %dma_start3A_257 = arith.constant 0 : i32
      %dma_start3A_258 = arith.constant 0 : i32
      %dma_start3A_259 = tpu.memref_slice %arg3[%dma_start3A_257, %dma_start3A_258] : memref<100000x64xf32, #tpu.memory_space<hbm>> -> memref<100000x64xf32, #tpu.memory_space<hbm>>
      tpu.enqueue_indirect_dma source(%dma_start3A_259 : memref<100000x64xf32, #tpu.memory_space<hbm>>) target(%dma_start3A_253 : memref<128x64xf32, #tpu.memory_space<vmem>>) offsets(%dma_start3A_256 : memref<128xi32, #tpu.memory_space<vmem>>) semaphore(%arg7 : memref<!tpu.dma_semaphore, #tpu.memory_space<semaphore_mem>>)
      %gt3A_260 = arith.constant 0 : i32
      %gt3A_261 = arith.cmpi sgt, %scan3A_198, %gt3A_260 : i32
      %convert_element_type3A_262 = arith.extui %gt3A_261 : i1 to i32
      %cond3A_263 = arith.constant 1 : i32
      %cond3A_264 = arith.constant 0 : i32
      %cond3A_265 = arith.cmpi ne, %convert_element_type3A_262, %cond3A_264 : i32
      scf.if %cond3A_265 {
        %add3A_556 = arith.constant 256 : i32
        %add3A_557 = arith.addi %multiple_of3A_202, %add3A_556 : i32
        %jit3A_558 = arith.constant 4096 : i32
        %div3A_559 = arith.divsi %add3A_557, %jit3A_558 : i32
        %sign3A_560 = arith.constant 0 : i32
        %sign3A_561 = arith.cmpi sgt, %add3A_557, %sign3A_560 : i32
        %sign3A_562 = arith.extui %sign3A_561 : i1 to i32
        %sign3A_563 = arith.constant 0 : i32
        %sign3A_564 = arith.cmpi slt, %add3A_557, %sign3A_563 : i32
        %sign3A_565 = arith.extui %sign3A_564 : i1 to i32
        %sign3A_566 = arith.subi %sign3A_562, %sign3A_565 : i32
        %sign3A_567 = arith.constant 0 : i32
        %sign3A_568 = arith.cmpi sgt, %jit3A_558, %sign3A_567 : i32
        %sign3A_569 = arith.extui %sign3A_568 : i1 to i32
        %sign3A_570 = arith.constant 0 : i32
        %sign3A_571 = arith.cmpi slt, %jit3A_558, %sign3A_570 : i32
        %sign3A_572 = arith.extui %sign3A_571 : i1 to i32
        %sign3A_573 = arith.subi %sign3A_569, %sign3A_572 : i32
        %ne3A_574 = arith.cmpi ne, %sign3A_566, %sign3A_573 : i32
        %rem3A_575 = arith.remsi %add3A_557, %jit3A_558 : i32
        %ne3A_576 = arith.constant 0 : i32
        %ne3A_577 = arith.cmpi ne, %rem3A_575, %ne3A_576 : i32
        %and3A_578 = arith.andi %ne3A_574, %ne3A_577 : i1
        %sub3A_579 = arith.constant 1 : i32
        %sub3A_580 = arith.subi %div3A_559, %sub3A_579 : i32
        %select_n3A_581 = arith.select %and3A_578, %sub3A_580, %div3A_559 : i32
        %jit3A_582 = arith.constant 4096 : i32
        %eq3A_583 = arith.constant 0 : i32
        %eq3A_584 = arith.cmpi eq, %jit3A_582, %eq3A_583 : i32
        %jit3A_585 = arith.constant 1 : i32
        %select_n3A_586 = arith.select %eq3A_584, %jit3A_585, %jit3A_582 : i32
        %rem3A_587 = arith.remsi %add3A_557, %select_n3A_586 : i32
        %ne3A_588 = arith.constant 0 : i32
        %ne3A_589 = arith.cmpi ne, %rem3A_587, %ne3A_588 : i32
        %lt3A_590 = arith.constant 0 : i32
        %lt3A_591 = arith.cmpi slt, %rem3A_587, %lt3A_590 : i32
        %lt3A_592 = arith.constant 0 : i32
        %lt3A_593 = arith.cmpi slt, %select_n3A_586, %lt3A_592 : i32
        %ne3A_594 = arith.xori %lt3A_591, %lt3A_593 : i1
        %and3A_595 = arith.andi %ne3A_594, %ne3A_589 : i1
        %add3A_596 = arith.addi %rem3A_587, %select_n3A_586 : i32
        %select_n3A_597 = arith.select %and3A_595, %add3A_596, %rem3A_587 : i32
        %jit3A_598 = arith.constant 2048 : i32
        %div3A_599 = arith.divsi %select_n3A_597, %jit3A_598 : i32
        %sign3A_600 = arith.constant 0 : i32
        %sign3A_601 = arith.cmpi sgt, %select_n3A_597, %sign3A_600 : i32
        %sign3A_602 = arith.extui %sign3A_601 : i1 to i32
        %sign3A_603 = arith.constant 0 : i32
        %sign3A_604 = arith.cmpi slt, %select_n3A_597, %sign3A_603 : i32
        %sign3A_605 = arith.extui %sign3A_604 : i1 to i32
        %sign3A_606 = arith.subi %sign3A_602, %sign3A_605 : i32
        %sign3A_607 = arith.constant 0 : i32
        %sign3A_608 = arith.cmpi sgt, %jit3A_598, %sign3A_607 : i32
        %sign3A_609 = arith.extui %sign3A_608 : i1 to i32
        %sign3A_610 = arith.constant 0 : i32
        %sign3A_611 = arith.cmpi slt, %jit3A_598, %sign3A_610 : i32
        %sign3A_612 = arith.extui %sign3A_611 : i1 to i32
        %sign3A_613 = arith.subi %sign3A_609, %sign3A_612 : i32
        %ne3A_614 = arith.cmpi ne, %sign3A_606, %sign3A_613 : i32
        %rem3A_615 = arith.remsi %select_n3A_597, %jit3A_598 : i32
        %ne3A_616 = arith.constant 0 : i32
        %ne3A_617 = arith.cmpi ne, %rem3A_615, %ne3A_616 : i32
        %and3A_618 = arith.andi %ne3A_614, %ne3A_617 : i1
        %sub3A_619 = arith.constant 1 : i32
        %sub3A_620 = arith.subi %div3A_599, %sub3A_619 : i32
        %select_n3A_621 = arith.select %and3A_618, %sub3A_620, %div3A_599 : i32
        %mul3A_622 = arith.constant 2048 : i32
        %mul3A_623 = arith.muli %select_n3A_581, %mul3A_622 : i32
        %jit3A_624 = arith.constant 2048 : i32
        %eq3A_625 = arith.constant 0 : i32
        %eq3A_626 = arith.cmpi eq, %jit3A_624, %eq3A_625 : i32
        %jit3A_627 = arith.constant 1 : i32
        %select_n3A_628 = arith.select %eq3A_626, %jit3A_627, %jit3A_624 : i32
        %rem3A_629 = arith.remsi %select_n3A_597, %select_n3A_628 : i32
        %ne3A_630 = arith.constant 0 : i32
        %ne3A_631 = arith.cmpi ne, %rem3A_629, %ne3A_630 : i32
        %lt3A_632 = arith.constant 0 : i32
        %lt3A_633 = arith.cmpi slt, %rem3A_629, %lt3A_632 : i32
        %lt3A_634 = arith.constant 0 : i32
        %lt3A_635 = arith.cmpi slt, %select_n3A_628, %lt3A_634 : i32
        %ne3A_636 = arith.xori %lt3A_633, %lt3A_635 : i1
        %and3A_637 = arith.andi %ne3A_636, %ne3A_631 : i1
        %add3A_638 = arith.addi %rem3A_629, %select_n3A_628 : i32
        %select_n3A_639 = arith.select %and3A_637, %add3A_638, %rem3A_629 : i32
        %add3A_640 = arith.addi %mul3A_623, %select_n3A_639 : i32
        %multiple_of3A_641 = tpu.assume_multiple %add3A_640, 256 : i32
        %mul3A_642 = arith.constant 64 : i32
        %mul3A_643 = arith.muli %select_n3A_621, %mul3A_642 : i32
        %multiple_of3A_644 = tpu.assume_multiple %mul3A_643, 64 : i32
        %dma_wait3A_645 = arith.constant 0 : i32
        %dma_wait3A_646 = arith.constant 0 : i32
        %dma_wait3A_647 = tpu.memref_slice %arg6[%cond3A_263, %dma_wait3A_645, %dma_wait3A_646] : memref<2x256x64xf32, #tpu.memory_space<vmem>> -> memref<1x256x64xf32, #tpu.memory_space<vmem>>
        %dma_wait3A_648 = tpu.memref_squeeze %dma_wait3A_647 : memref<1x256x64xf32, #tpu.memory_space<vmem>> -> memref<256x64xf32, #tpu.memory_space<vmem>>
        %dma_wait3A_649 = tpu.memref_slice %arg4[%multiple_of3A_641, %multiple_of3A_644] : memref<204800x128xf32, #tpu.memory_space<hbm>> -> memref<256x64xf32, #tpu.memory_space<hbm>>
        %dma_wait3A_650 = tpu.memref_slice %arg4[%multiple_of3A_641, %multiple_of3A_644] : memref<204800x128xf32, #tpu.memory_space<hbm>> -> memref<256x64xf32, #tpu.memory_space<hbm>>
        %dma_wait3A_651 = arith.constant 0 : i32
        %dma_wait3A_652 = arith.constant 0 : i32
        %dma_wait3A_653 = tpu.memref_slice %arg6[%cond3A_263, %dma_wait3A_651, %dma_wait3A_652] : memref<2x256x64xf32, #tpu.memory_space<vmem>> -> memref<1x256x64xf32, #tpu.memory_space<vmem>>
        %dma_wait3A_654 = tpu.memref_squeeze %dma_wait3A_653 : memref<1x256x64xf32, #tpu.memory_space<vmem>> -> memref<256x64xf32, #tpu.memory_space<vmem>>
        tpu.wait_dma2 semaphore(%arg9 : memref<!tpu.dma_semaphore, #tpu.memory_space<semaphore_mem>>) src(%dma_wait3A_654 : memref<256x64xf32, #tpu.memory_space<vmem>>) dst(%dma_wait3A_650 : memref<256x64xf32, #tpu.memory_space<hbm>>)
      } else {
      }
      %dma_start3A_266 = arith.constant 2 : i32
      %dma_start3A_267 = arith.constant 1 : i32
      %dma_start3A_268 = arith.constant 0 : i32
      %dma_start3A_269 = arith.constant 0 : i32
      %dma_start3A_270 = tpu.memref_slice %arg6[%dma_start3A_267, %dma_start3A_268, %dma_start3A_269] : memref<2x256x64xf32, #tpu.memory_space<vmem>> -> memref<1x256x64xf32, #tpu.memory_space<vmem>>
      %dma_start3A_271 = tpu.memref_squeeze %dma_start3A_270 : memref<1x256x64xf32, #tpu.memory_space<vmem>> -> memref<256x64xf32, #tpu.memory_space<vmem>>
      %dma_start3A_272 = arith.constant 0 : i32
      %dma_start3A_273 = arith.constant 0 : i32
      %dma_start3A_274 = tpu.memref_slice %dma_start3A_271[%dma_start3A_272, %dma_start3A_273] : memref<256x64xf32, #tpu.memory_space<vmem>> -> memref<128x64xf32, #tpu.memory_space<vmem>>
      %dma_start3A_275 = arith.constant 0 : i32
      %dma_start3A_276 = tpu.memref_slice %arg5[%dma_start3A_266, %dma_start3A_275] : memref<4x128xi32, #tpu.memory_space<vmem>> -> memref<1x128xi32, #tpu.memory_space<vmem>>
      %dma_start3A_277 = tpu.memref_squeeze %dma_start3A_276 : memref<1x128xi32, #tpu.memory_space<vmem>> -> memref<128xi32, #tpu.memory_space<vmem>>
      %dma_start3A_278 = arith.constant 0 : i32
      %dma_start3A_279 = arith.constant 0 : i32
      %dma_start3A_280 = tpu.memref_slice %arg3[%dma_start3A_278, %dma_start3A_279] : memref<100000x64xf32, #tpu.memory_space<hbm>> -> memref<100000x64xf32, #tpu.memory_space<hbm>>
      tpu.enqueue_indirect_dma source(%dma_start3A_280 : memref<100000x64xf32, #tpu.memory_space<hbm>>) target(%dma_start3A_274 : memref<128x64xf32, #tpu.memory_space<vmem>>) offsets(%dma_start3A_277 : memref<128xi32, #tpu.memory_space<vmem>>) semaphore(%arg7 : memref<!tpu.dma_semaphore, #tpu.memory_space<semaphore_mem>>)
      %dma_start3A_281 = arith.constant 3 : i32
      %dma_start3A_282 = arith.constant 1 : i32
      %dma_start3A_283 = arith.constant 0 : i32
      %dma_start3A_284 = arith.constant 0 : i32
      %dma_start3A_285 = tpu.memref_slice %arg6[%dma_start3A_282, %dma_start3A_283, %dma_start3A_284] : memref<2x256x64xf32, #tpu.memory_space<vmem>> -> memref<1x256x64xf32, #tpu.memory_space<vmem>>
      %dma_start3A_286 = tpu.memref_squeeze %dma_start3A_285 : memref<1x256x64xf32, #tpu.memory_space<vmem>> -> memref<256x64xf32, #tpu.memory_space<vmem>>
      %dma_start3A_287 = arith.constant 128 : i32
      %dma_start3A_288 = arith.constant 0 : i32
      %dma_start3A_289 = tpu.memref_slice %dma_start3A_286[%dma_start3A_287, %dma_start3A_288] : memref<256x64xf32, #tpu.memory_space<vmem>> -> memref<128x64xf32, #tpu.memory_space<vmem>>
      %dma_start3A_290 = arith.constant 0 : i32
      %dma_start3A_291 = tpu.memref_slice %arg5[%dma_start3A_281, %dma_start3A_290] : memref<4x128xi32, #tpu.memory_space<vmem>> -> memref<1x128xi32, #tpu.memory_space<vmem>>
      %dma_start3A_292 = tpu.memref_squeeze %dma_start3A_291 : memref<1x128xi32, #tpu.memory_space<vmem>> -> memref<128xi32, #tpu.memory_space<vmem>>
      %dma_start3A_293 = arith.constant 0 : i32
      %dma_start3A_294 = arith.constant 0 : i32
      %dma_start3A_295 = tpu.memref_slice %arg3[%dma_start3A_293, %dma_start3A_294] : memref<100000x64xf32, #tpu.memory_space<hbm>> -> memref<100000x64xf32, #tpu.memory_space<hbm>>
      tpu.enqueue_indirect_dma source(%dma_start3A_295 : memref<100000x64xf32, #tpu.memory_space<hbm>>) target(%dma_start3A_289 : memref<128x64xf32, #tpu.memory_space<vmem>>) offsets(%dma_start3A_292 : memref<128xi32, #tpu.memory_space<vmem>>) semaphore(%arg7 : memref<!tpu.dma_semaphore, #tpu.memory_space<semaphore_mem>>)
      %dma_wait3A_296 = arith.constant 0 : i32
      %dma_wait3A_297 = arith.constant 0 : i32
      %dma_wait3A_298 = arith.constant 0 : i32
      %dma_wait3A_299 = arith.constant 0 : i32
      %dma_wait3A_300 = tpu.memref_slice %arg6[%dma_wait3A_297, %dma_wait3A_298, %dma_wait3A_299] : memref<2x256x64xf32, #tpu.memory_space<vmem>> -> memref<1x256x64xf32, #tpu.memory_space<vmem>>
      %dma_wait3A_301 = tpu.memref_squeeze %dma_wait3A_300 : memref<1x256x64xf32, #tpu.memory_space<vmem>> -> memref<256x64xf32, #tpu.memory_space<vmem>>
      %dma_wait3A_302 = arith.constant 0 : i32
      %dma_wait3A_303 = arith.constant 0 : i32
      %dma_wait3A_304 = tpu.memref_slice %dma_wait3A_301[%dma_wait3A_302, %dma_wait3A_303] : memref<256x64xf32, #tpu.memory_space<vmem>> -> memref<128x64xf32, #tpu.memory_space<vmem>>
      %dma_wait3A_305 = arith.constant 0 : i32
      %dma_wait3A_306 = tpu.memref_slice %arg5[%dma_wait3A_296, %dma_wait3A_305] : memref<4x128xi32, #tpu.memory_space<vmem>> -> memref<1x128xi32, #tpu.memory_space<vmem>>
      %dma_wait3A_307 = tpu.memref_squeeze %dma_wait3A_306 : memref<1x128xi32, #tpu.memory_space<vmem>> -> memref<128xi32, #tpu.memory_space<vmem>>
      %dma_wait3A_308 = arith.constant 0 : i32
      %dma_wait3A_309 = arith.constant 0 : i32
      %dma_wait3A_310 = tpu.memref_slice %arg3[%dma_wait3A_308, %dma_wait3A_309] : memref<100000x64xf32, #tpu.memory_space<hbm>> -> memref<100000x64xf32, #tpu.memory_space<hbm>>
      tpu.wait_indirect_dma semaphore(%arg7 : memref<!tpu.dma_semaphore, #tpu.memory_space<semaphore_mem>>) src(%dma_wait3A_310 : memref<100000x64xf32, #tpu.memory_space<hbm>>) dst(%dma_wait3A_304 : memref<128x64xf32, #tpu.memory_space<vmem>>)
      %dma_wait3A_311 = arith.constant 1 : i32
      %dma_wait3A_312 = arith.constant 0 : i32
      %dma_wait3A_313 = arith.constant 0 : i32
      %dma_wait3A_314 = arith.constant 0 : i32
      %dma_wait3A_315 = tpu.memref_slice %arg6[%dma_wait3A_312, %dma_wait3A_313, %dma_wait3A_314] : memref<2x256x64xf32, #tpu.memory_space<vmem>> -> memref<1x256x64xf32, #tpu.memory_space<vmem>>
      %dma_wait3A_316 = tpu.memref_squeeze %dma_wait3A_315 : memref<1x256x64xf32, #tpu.memory_space<vmem>> -> memref<256x64xf32, #tpu.memory_space<vmem>>
      %dma_wait3A_317 = arith.constant 128 : i32
      %dma_wait3A_318 = arith.constant 0 : i32
      %dma_wait3A_319 = tpu.memref_slice %dma_wait3A_316[%dma_wait3A_317, %dma_wait3A_318] : memref<256x64xf32, #tpu.memory_space<vmem>> -> memref<128x64xf32, #tpu.memory_space<vmem>>
      %dma_wait3A_320 = arith.constant 0 : i32
      %dma_wait3A_321 = tpu.memref_slice %arg5[%dma_wait3A_311, %dma_wait3A_320] : memref<4x128xi32, #tpu.memory_space<vmem>> -> memref<1x128xi32, #tpu.memory_space<vmem>>
      %dma_wait3A_322 = tpu.memref_squeeze %dma_wait3A_321 : memref<1x128xi32, #tpu.memory_space<vmem>> -> memref<128xi32, #tpu.memory_space<vmem>>
      %dma_wait3A_323 = arith.constant 0 : i32
      %dma_wait3A_324 = arith.constant 0 : i32
      %dma_wait3A_325 = tpu.memref_slice %arg3[%dma_wait3A_323, %dma_wait3A_324] : memref<100000x64xf32, #tpu.memory_space<hbm>> -> memref<100000x64xf32, #tpu.memory_space<hbm>>
      tpu.wait_indirect_dma semaphore(%arg7 : memref<!tpu.dma_semaphore, #tpu.memory_space<semaphore_mem>>) src(%dma_wait3A_325 : memref<100000x64xf32, #tpu.memory_space<hbm>>) dst(%dma_wait3A_319 : memref<128x64xf32, #tpu.memory_space<vmem>>)
      %add3A_326 = arith.constant 0 : i32
      %add3A_327 = arith.addi %multiple_of3A_202, %add3A_326 : i32
      %jit3A_328 = arith.constant 4096 : i32
      %div3A_329 = arith.divsi %add3A_327, %jit3A_328 : i32
      %sign3A_330 = arith.constant 0 : i32
      %sign3A_331 = arith.cmpi sgt, %add3A_327, %sign3A_330 : i32
      %sign3A_332 = arith.extui %sign3A_331 : i1 to i32
      %sign3A_333 = arith.constant 0 : i32
      %sign3A_334 = arith.cmpi slt, %add3A_327, %sign3A_333 : i32
      %sign3A_335 = arith.extui %sign3A_334 : i1 to i32
      %sign3A_336 = arith.subi %sign3A_332, %sign3A_335 : i32
      %sign3A_337 = arith.constant 0 : i32
      %sign3A_338 = arith.cmpi sgt, %jit3A_328, %sign3A_337 : i32
      %sign3A_339 = arith.extui %sign3A_338 : i1 to i32
      %sign3A_340 = arith.constant 0 : i32
      %sign3A_341 = arith.cmpi slt, %jit3A_328, %sign3A_340 : i32
      %sign3A_342 = arith.extui %sign3A_341 : i1 to i32
      %sign3A_343 = arith.subi %sign3A_339, %sign3A_342 : i32
      %ne3A_344 = arith.cmpi ne, %sign3A_336, %sign3A_343 : i32
      %rem3A_345 = arith.remsi %add3A_327, %jit3A_328 : i32
      %ne3A_346 = arith.constant 0 : i32
      %ne3A_347 = arith.cmpi ne, %rem3A_345, %ne3A_346 : i32
      %and3A_348 = arith.andi %ne3A_344, %ne3A_347 : i1
      %sub3A_349 = arith.constant 1 : i32
      %sub3A_350 = arith.subi %div3A_329, %sub3A_349 : i32
      %select_n3A_351 = arith.select %and3A_348, %sub3A_350, %div3A_329 : i32
      %jit3A_352 = arith.constant 4096 : i32
      %eq3A_353 = arith.constant 0 : i32
      %eq3A_354 = arith.cmpi eq, %jit3A_352, %eq3A_353 : i32
      %jit3A_355 = arith.constant 1 : i32
      %select_n3A_356 = arith.select %eq3A_354, %jit3A_355, %jit3A_352 : i32
      %rem3A_357 = arith.remsi %add3A_327, %select_n3A_356 : i32
      %ne3A_358 = arith.constant 0 : i32
      %ne3A_359 = arith.cmpi ne, %rem3A_357, %ne3A_358 : i32
      %lt3A_360 = arith.constant 0 : i32
      %lt3A_361 = arith.cmpi slt, %rem3A_357, %lt3A_360 : i32
      %lt3A_362 = arith.constant 0 : i32
      %lt3A_363 = arith.cmpi slt, %select_n3A_356, %lt3A_362 : i32
      %ne3A_364 = arith.xori %lt3A_361, %lt3A_363 : i1
      %and3A_365 = arith.andi %ne3A_364, %ne3A_359 : i1
      %add3A_366 = arith.addi %rem3A_357, %select_n3A_356 : i32
      %select_n3A_367 = arith.select %and3A_365, %add3A_366, %rem3A_357 : i32
      %jit3A_368 = arith.constant 2048 : i32
      %div3A_369 = arith.divsi %select_n3A_367, %jit3A_368 : i32
      %sign3A_370 = arith.constant 0 : i32
      %sign3A_371 = arith.cmpi sgt, %select_n3A_367, %sign3A_370 : i32
      %sign3A_372 = arith.extui %sign3A_371 : i1 to i32
      %sign3A_373 = arith.constant 0 : i32
      %sign3A_374 = arith.cmpi slt, %select_n3A_367, %sign3A_373 : i32
      %sign3A_375 = arith.extui %sign3A_374 : i1 to i32
      %sign3A_376 = arith.subi %sign3A_372, %sign3A_375 : i32
      %sign3A_377 = arith.constant 0 : i32
      %sign3A_378 = arith.cmpi sgt, %jit3A_368, %sign3A_377 : i32
      %sign3A_379 = arith.extui %sign3A_378 : i1 to i32
      %sign3A_380 = arith.constant 0 : i32
      %sign3A_381 = arith.cmpi slt, %jit3A_368, %sign3A_380 : i32
      %sign3A_382 = arith.extui %sign3A_381 : i1 to i32
      %sign3A_383 = arith.subi %sign3A_379, %sign3A_382 : i32
      %ne3A_384 = arith.cmpi ne, %sign3A_376, %sign3A_383 : i32
      %rem3A_385 = arith.remsi %select_n3A_367, %jit3A_368 : i32
      %ne3A_386 = arith.constant 0 : i32
      %ne3A_387 = arith.cmpi ne, %rem3A_385, %ne3A_386 : i32
      %and3A_388 = arith.andi %ne3A_384, %ne3A_387 : i1
      %sub3A_389 = arith.constant 1 : i32
      %sub3A_390 = arith.subi %div3A_369, %sub3A_389 : i32
      %select_n3A_391 = arith.select %and3A_388, %sub3A_390, %div3A_369 : i32
      %mul3A_392 = arith.constant 2048 : i32
      %mul3A_393 = arith.muli %select_n3A_351, %mul3A_392 : i32
      %jit3A_394 = arith.constant 2048 : i32
      %eq3A_395 = arith.constant 0 : i32
      %eq3A_396 = arith.cmpi eq, %jit3A_394, %eq3A_395 : i32
      %jit3A_397 = arith.constant 1 : i32
      %select_n3A_398 = arith.select %eq3A_396, %jit3A_397, %jit3A_394 : i32
      %rem3A_399 = arith.remsi %select_n3A_367, %select_n3A_398 : i32
      %ne3A_400 = arith.constant 0 : i32
      %ne3A_401 = arith.cmpi ne, %rem3A_399, %ne3A_400 : i32
      %lt3A_402 = arith.constant 0 : i32
      %lt3A_403 = arith.cmpi slt, %rem3A_399, %lt3A_402 : i32
      %lt3A_404 = arith.constant 0 : i32
      %lt3A_405 = arith.cmpi slt, %select_n3A_398, %lt3A_404 : i32
      %ne3A_406 = arith.xori %lt3A_403, %lt3A_405 : i1
      %and3A_407 = arith.andi %ne3A_406, %ne3A_401 : i1
      %add3A_408 = arith.addi %rem3A_399, %select_n3A_398 : i32
      %select_n3A_409 = arith.select %and3A_407, %add3A_408, %rem3A_399 : i32
      %add3A_410 = arith.addi %mul3A_393, %select_n3A_409 : i32
      %multiple_of3A_411 = tpu.assume_multiple %add3A_410, 256 : i32
      %mul3A_412 = arith.constant 64 : i32
      %mul3A_413 = arith.muli %select_n3A_391, %mul3A_412 : i32
      %multiple_of3A_414 = tpu.assume_multiple %mul3A_413, 64 : i32
      %dma_start3A_415 = arith.constant 0 : i32
      %dma_start3A_416 = arith.constant 0 : i32
      %dma_start3A_417 = arith.constant 0 : i32
      %dma_start3A_418 = tpu.memref_slice %arg6[%dma_start3A_415, %dma_start3A_416, %dma_start3A_417] : memref<2x256x64xf32, #tpu.memory_space<vmem>> -> memref<1x256x64xf32, #tpu.memory_space<vmem>>
      %dma_start3A_419 = tpu.memref_squeeze %dma_start3A_418 : memref<1x256x64xf32, #tpu.memory_space<vmem>> -> memref<256x64xf32, #tpu.memory_space<vmem>>
      %dma_start3A_420 = tpu.memref_slice %arg4[%multiple_of3A_411, %multiple_of3A_414] : memref<204800x128xf32, #tpu.memory_space<hbm>> -> memref<256x64xf32, #tpu.memory_space<hbm>>
      %dma_start3A_421 = tpu.memref_slice %arg4[%multiple_of3A_411, %multiple_of3A_414] : memref<204800x128xf32, #tpu.memory_space<hbm>> -> memref<256x64xf32, #tpu.memory_space<hbm>>
      %dma_start3A_422 = arith.constant 0 : i32
      %dma_start3A_423 = arith.constant 0 : i32
      %dma_start3A_424 = tpu.memref_slice %arg6[%dma_start3A_415, %dma_start3A_422, %dma_start3A_423] : memref<2x256x64xf32, #tpu.memory_space<vmem>> -> memref<1x256x64xf32, #tpu.memory_space<vmem>>
      %dma_start3A_425 = tpu.memref_squeeze %dma_start3A_424 : memref<1x256x64xf32, #tpu.memory_space<vmem>> -> memref<256x64xf32, #tpu.memory_space<vmem>>
      tpu.enqueue_dma source(%dma_start3A_425 : memref<256x64xf32, #tpu.memory_space<vmem>>) target(%dma_start3A_421 : memref<256x64xf32, #tpu.memory_space<hbm>>) target_semaphore(%arg8 : memref<!tpu.dma_semaphore, #tpu.memory_space<semaphore_mem>>)
      %dma_wait3A_426 = arith.constant 2 : i32
      %dma_wait3A_427 = arith.constant 1 : i32
      %dma_wait3A_428 = arith.constant 0 : i32
      %dma_wait3A_429 = arith.constant 0 : i32
      %dma_wait3A_430 = tpu.memref_slice %arg6[%dma_wait3A_427, %dma_wait3A_428, %dma_wait3A_429] : memref<2x256x64xf32, #tpu.memory_space<vmem>> -> memref<1x256x64xf32, #tpu.memory_space<vmem>>
      %dma_wait3A_431 = tpu.memref_squeeze %dma_wait3A_430 : memref<1x256x64xf32, #tpu.memory_space<vmem>> -> memref<256x64xf32, #tpu.memory_space<vmem>>
      %dma_wait3A_432 = arith.constant 0 : i32
      %dma_wait3A_433 = arith.constant 0 : i32
      %dma_wait3A_434 = tpu.memref_slice %dma_wait3A_431[%dma_wait3A_432, %dma_wait3A_433] : memref<256x64xf32, #tpu.memory_space<vmem>> -> memref<128x64xf32, #tpu.memory_space<vmem>>
      %dma_wait3A_435 = arith.constant 0 : i32
      %dma_wait3A_436 = tpu.memref_slice %arg5[%dma_wait3A_426, %dma_wait3A_435] : memref<4x128xi32, #tpu.memory_space<vmem>> -> memref<1x128xi32, #tpu.memory_space<vmem>>
      %dma_wait3A_437 = tpu.memref_squeeze %dma_wait3A_436 : memref<1x128xi32, #tpu.memory_space<vmem>> -> memref<128xi32, #tpu.memory_space<vmem>>
      %dma_wait3A_438 = arith.constant 0 : i32
      %dma_wait3A_439 = arith.constant 0 : i32
      %dma_wait3A_440 = tpu.memref_slice %arg3[%dma_wait3A_438, %dma_wait3A_439] : memref<100000x64xf32, #tpu.memory_space<hbm>> -> memref<100000x64xf32, #tpu.memory_space<hbm>>
      tpu.wait_indirect_dma semaphore(%arg7 : memref<!tpu.dma_semaphore, #tpu.memory_space<semaphore_mem>>) src(%dma_wait3A_440 : memref<100000x64xf32, #tpu.memory_space<hbm>>) dst(%dma_wait3A_434 : memref<128x64xf32, #tpu.memory_space<vmem>>)
      %dma_wait3A_441 = arith.constant 3 : i32
      %dma_wait3A_442 = arith.constant 1 : i32
      %dma_wait3A_443 = arith.constant 0 : i32
      %dma_wait3A_444 = arith.constant 0 : i32
      %dma_wait3A_445 = tpu.memref_slice %arg6[%dma_wait3A_442, %dma_wait3A_443, %dma_wait3A_444] : memref<2x256x64xf32, #tpu.memory_space<vmem>> -> memref<1x256x64xf32, #tpu.memory_space<vmem>>
      %dma_wait3A_446 = tpu.memref_squeeze %dma_wait3A_445 : memref<1x256x64xf32, #tpu.memory_space<vmem>> -> memref<256x64xf32, #tpu.memory_space<vmem>>
      %dma_wait3A_447 = arith.constant 128 : i32
      %dma_wait3A_448 = arith.constant 0 : i32
      %dma_wait3A_449 = tpu.memref_slice %dma_wait3A_446[%dma_wait3A_447, %dma_wait3A_448] : memref<256x64xf32, #tpu.memory_space<vmem>> -> memref<128x64xf32, #tpu.memory_space<vmem>>
      %dma_wait3A_450 = arith.constant 0 : i32
      %dma_wait3A_451 = tpu.memref_slice %arg5[%dma_wait3A_441, %dma_wait3A_450] : memref<4x128xi32, #tpu.memory_space<vmem>> -> memref<1x128xi32, #tpu.memory_space<vmem>>
      %dma_wait3A_452 = tpu.memref_squeeze %dma_wait3A_451 : memref<1x128xi32, #tpu.memory_space<vmem>> -> memref<128xi32, #tpu.memory_space<vmem>>
      %dma_wait3A_453 = arith.constant 0 : i32
      %dma_wait3A_454 = arith.constant 0 : i32
      %dma_wait3A_455 = tpu.memref_slice %arg3[%dma_wait3A_453, %dma_wait3A_454] : memref<100000x64xf32, #tpu.memory_space<hbm>> -> memref<100000x64xf32, #tpu.memory_space<hbm>>
      tpu.wait_indirect_dma semaphore(%arg7 : memref<!tpu.dma_semaphore, #tpu.memory_space<semaphore_mem>>) src(%dma_wait3A_455 : memref<100000x64xf32, #tpu.memory_space<hbm>>) dst(%dma_wait3A_449 : memref<128x64xf32, #tpu.memory_space<vmem>>)
      %add3A_456 = arith.constant 256 : i32
      %add3A_457 = arith.addi %multiple_of3A_202, %add3A_456 : i32
      %jit3A_458 = arith.constant 4096 : i32
      %div3A_459 = arith.divsi %add3A_457, %jit3A_458 : i32
      %sign3A_460 = arith.constant 0 : i32
      %sign3A_461 = arith.cmpi sgt, %add3A_457, %sign3A_460 : i32
      %sign3A_462 = arith.extui %sign3A_461 : i1 to i32
      %sign3A_463 = arith.constant 0 : i32
      %sign3A_464 = arith.cmpi slt, %add3A_457, %sign3A_463 : i32
      %sign3A_465 = arith.extui %sign3A_464 : i1 to i32
      %sign3A_466 = arith.subi %sign3A_462, %sign3A_465 : i32
      %sign3A_467 = arith.constant 0 : i32
      %sign3A_468 = arith.cmpi sgt, %jit3A_458, %sign3A_467 : i32
      %sign3A_469 = arith.extui %sign3A_468 : i1 to i32
      %sign3A_470 = arith.constant 0 : i32
      %sign3A_471 = arith.cmpi slt, %jit3A_458, %sign3A_470 : i32
      %sign3A_472 = arith.extui %sign3A_471 : i1 to i32
      %sign3A_473 = arith.subi %sign3A_469, %sign3A_472 : i32
      %ne3A_474 = arith.cmpi ne, %sign3A_466, %sign3A_473 : i32
      %rem3A_475 = arith.remsi %add3A_457, %jit3A_458 : i32
      %ne3A_476 = arith.constant 0 : i32
      %ne3A_477 = arith.cmpi ne, %rem3A_475, %ne3A_476 : i32
      %and3A_478 = arith.andi %ne3A_474, %ne3A_477 : i1
      %sub3A_479 = arith.constant 1 : i32
      %sub3A_480 = arith.subi %div3A_459, %sub3A_479 : i32
      %select_n3A_481 = arith.select %and3A_478, %sub3A_480, %div3A_459 : i32
      %jit3A_482 = arith.constant 4096 : i32
      %eq3A_483 = arith.constant 0 : i32
      %eq3A_484 = arith.cmpi eq, %jit3A_482, %eq3A_483 : i32
      %jit3A_485 = arith.constant 1 : i32
      %select_n3A_486 = arith.select %eq3A_484, %jit3A_485, %jit3A_482 : i32
      %rem3A_487 = arith.remsi %add3A_457, %select_n3A_486 : i32
      %ne3A_488 = arith.constant 0 : i32
      %ne3A_489 = arith.cmpi ne, %rem3A_487, %ne3A_488 : i32
      %lt3A_490 = arith.constant 0 : i32
      %lt3A_491 = arith.cmpi slt, %rem3A_487, %lt3A_490 : i32
      %lt3A_492 = arith.constant 0 : i32
      %lt3A_493 = arith.cmpi slt, %select_n3A_486, %lt3A_492 : i32
      %ne3A_494 = arith.xori %lt3A_491, %lt3A_493 : i1
      %and3A_495 = arith.andi %ne3A_494, %ne3A_489 : i1
      %add3A_496 = arith.addi %rem3A_487, %select_n3A_486 : i32
      %select_n3A_497 = arith.select %and3A_495, %add3A_496, %rem3A_487 : i32
      %jit3A_498 = arith.constant 2048 : i32
      %div3A_499 = arith.divsi %select_n3A_497, %jit3A_498 : i32
      %sign3A_500 = arith.constant 0 : i32
      %sign3A_501 = arith.cmpi sgt, %select_n3A_497, %sign3A_500 : i32
      %sign3A_502 = arith.extui %sign3A_501 : i1 to i32
      %sign3A_503 = arith.constant 0 : i32
      %sign3A_504 = arith.cmpi slt, %select_n3A_497, %sign3A_503 : i32
      %sign3A_505 = arith.extui %sign3A_504 : i1 to i32
      %sign3A_506 = arith.subi %sign3A_502, %sign3A_505 : i32
      %sign3A_507 = arith.constant 0 : i32
      %sign3A_508 = arith.cmpi sgt, %jit3A_498, %sign3A_507 : i32
      %sign3A_509 = arith.extui %sign3A_508 : i1 to i32
      %sign3A_510 = arith.constant 0 : i32
      %sign3A_511 = arith.cmpi slt, %jit3A_498, %sign3A_510 : i32
      %sign3A_512 = arith.extui %sign3A_511 : i1 to i32
      %sign3A_513 = arith.subi %sign3A_509, %sign3A_512 : i32
      %ne3A_514 = arith.cmpi ne, %sign3A_506, %sign3A_513 : i32
      %rem3A_515 = arith.remsi %select_n3A_497, %jit3A_498 : i32
      %ne3A_516 = arith.constant 0 : i32
      %ne3A_517 = arith.cmpi ne, %rem3A_515, %ne3A_516 : i32
      %and3A_518 = arith.andi %ne3A_514, %ne3A_517 : i1
      %sub3A_519 = arith.constant 1 : i32
      %sub3A_520 = arith.subi %div3A_499, %sub3A_519 : i32
      %select_n3A_521 = arith.select %and3A_518, %sub3A_520, %div3A_499 : i32
      %mul3A_522 = arith.constant 2048 : i32
      %mul3A_523 = arith.muli %select_n3A_481, %mul3A_522 : i32
      %jit3A_524 = arith.constant 2048 : i32
      %eq3A_525 = arith.constant 0 : i32
      %eq3A_526 = arith.cmpi eq, %jit3A_524, %eq3A_525 : i32
      %jit3A_527 = arith.constant 1 : i32
      %select_n3A_528 = arith.select %eq3A_526, %jit3A_527, %jit3A_524 : i32
      %rem3A_529 = arith.remsi %select_n3A_497, %select_n3A_528 : i32
      %ne3A_530 = arith.constant 0 : i32
      %ne3A_531 = arith.cmpi ne, %rem3A_529, %ne3A_530 : i32
      %lt3A_532 = arith.constant 0 : i32
      %lt3A_533 = arith.cmpi slt, %rem3A_529, %lt3A_532 : i32
      %lt3A_534 = arith.constant 0 : i32
      %lt3A_535 = arith.cmpi slt, %select_n3A_528, %lt3A_534 : i32
      %ne3A_536 = arith.xori %lt3A_533, %lt3A_535 : i1
      %and3A_537 = arith.andi %ne3A_536, %ne3A_531 : i1
      %add3A_538 = arith.addi %rem3A_529, %select_n3A_528 : i32
      %select_n3A_539 = arith.select %and3A_537, %add3A_538, %rem3A_529 : i32
      %add3A_540 = arith.addi %mul3A_523, %select_n3A_539 : i32
      %multiple_of3A_541 = tpu.assume_multiple %add3A_540, 256 : i32
      %mul3A_542 = arith.constant 64 : i32
      %mul3A_543 = arith.muli %select_n3A_521, %mul3A_542 : i32
      %multiple_of3A_544 = tpu.assume_multiple %mul3A_543, 64 : i32
      %dma_start3A_545 = arith.constant 1 : i32
      %dma_start3A_546 = arith.constant 0 : i32
      %dma_start3A_547 = arith.constant 0 : i32
      %dma_start3A_548 = tpu.memref_slice %arg6[%dma_start3A_545, %dma_start3A_546, %dma_start3A_547] : memref<2x256x64xf32, #tpu.memory_space<vmem>> -> memref<1x256x64xf32, #tpu.memory_space<vmem>>
      %dma_start3A_549 = tpu.memref_squeeze %dma_start3A_548 : memref<1x256x64xf32, #tpu.memory_space<vmem>> -> memref<256x64xf32, #tpu.memory_space<vmem>>
      %dma_start3A_550 = tpu.memref_slice %arg4[%multiple_of3A_541, %multiple_of3A_544] : memref<204800x128xf32, #tpu.memory_space<hbm>> -> memref<256x64xf32, #tpu.memory_space<hbm>>
      %dma_start3A_551 = tpu.memref_slice %arg4[%multiple_of3A_541, %multiple_of3A_544] : memref<204800x128xf32, #tpu.memory_space<hbm>> -> memref<256x64xf32, #tpu.memory_space<hbm>>
      %dma_start3A_552 = arith.constant 0 : i32
      %dma_start3A_553 = arith.constant 0 : i32
      %dma_start3A_554 = tpu.memref_slice %arg6[%dma_start3A_545, %dma_start3A_552, %dma_start3A_553] : memref<2x256x64xf32, #tpu.memory_space<vmem>> -> memref<1x256x64xf32, #tpu.memory_space<vmem>>
      %dma_start3A_555 = tpu.memref_squeeze %dma_start3A_554 : memref<1x256x64xf32, #tpu.memory_space<vmem>> -> memref<256x64xf32, #tpu.memory_space<vmem>>
      tpu.enqueue_dma source(%dma_start3A_555 : memref<256x64xf32, #tpu.memory_space<vmem>>) target(%dma_start3A_551 : memref<256x64xf32, #tpu.memory_space<hbm>>) target_semaphore(%arg9 : memref<!tpu.dma_semaphore, #tpu.memory_space<semaphore_mem>>)
    }
    %scan3A_7 = arith.constant 25 : i32
    %add3A_8 = arith.constant 12288 : i32
    %add3A_9 = arith.addi %mul3A_2, %add3A_8 : i32
    %add3A_10 = arith.constant 0 : i32
    %add3A_11 = arith.addi %add3A_9, %add3A_10 : i32
    %jit3A = arith.constant 4096 : i32
    %div3A = arith.divsi %add3A_11, %jit3A : i32
    %sign3A = arith.constant 0 : i32
    %sign3A_12 = arith.cmpi sgt, %add3A_11, %sign3A : i32
    %sign3A_13 = arith.extui %sign3A_12 : i1 to i32
    %sign3A_14 = arith.constant 0 : i32
    %sign3A_15 = arith.cmpi slt, %add3A_11, %sign3A_14 : i32
    %sign3A_16 = arith.extui %sign3A_15 : i1 to i32
    %sign3A_17 = arith.subi %sign3A_13, %sign3A_16 : i32
    %sign3A_18 = arith.constant 0 : i32
    %sign3A_19 = arith.cmpi sgt, %jit3A, %sign3A_18 : i32
    %sign3A_20 = arith.extui %sign3A_19 : i1 to i32
    %sign3A_21 = arith.constant 0 : i32
    %sign3A_22 = arith.cmpi slt, %jit3A, %sign3A_21 : i32
    %sign3A_23 = arith.extui %sign3A_22 : i1 to i32
    %sign3A_24 = arith.subi %sign3A_20, %sign3A_23 : i32
    %ne3A = arith.cmpi ne, %sign3A_17, %sign3A_24 : i32
    %rem3A = arith.remsi %add3A_11, %jit3A : i32
    %ne3A_25 = arith.constant 0 : i32
    %ne3A_26 = arith.cmpi ne, %rem3A, %ne3A_25 : i32
    %and3A = arith.andi %ne3A, %ne3A_26 : i1
    %sub3A = arith.constant 1 : i32
    %sub3A_27 = arith.subi %div3A, %sub3A : i32
    %select_n3A = arith.select %and3A, %sub3A_27, %div3A : i32
    %jit3A_28 = arith.constant 4096 : i32
    %eq3A = arith.constant 0 : i32
    %eq3A_29 = arith.cmpi eq, %jit3A_28, %eq3A : i32
    %jit3A_30 = arith.constant 1 : i32
    %select_n3A_31 = arith.select %eq3A_29, %jit3A_30, %jit3A_28 : i32
    %rem3A_32 = arith.remsi %add3A_11, %select_n3A_31 : i32
    %ne3A_33 = arith.constant 0 : i32
    %ne3A_34 = arith.cmpi ne, %rem3A_32, %ne3A_33 : i32
    %lt3A = arith.constant 0 : i32
    %lt3A_35 = arith.cmpi slt, %rem3A_32, %lt3A : i32
    %lt3A_36 = arith.constant 0 : i32
    %lt3A_37 = arith.cmpi slt, %select_n3A_31, %lt3A_36 : i32
    %ne3A_38 = arith.xori %lt3A_35, %lt3A_37 : i1
    %and3A_39 = arith.andi %ne3A_38, %ne3A_34 : i1
    %add3A_40 = arith.addi %rem3A_32, %select_n3A_31 : i32
    %select_n3A_41 = arith.select %and3A_39, %add3A_40, %rem3A_32 : i32
    %jit3A_42 = arith.constant 2048 : i32
    %div3A_43 = arith.divsi %select_n3A_41, %jit3A_42 : i32
    %sign3A_44 = arith.constant 0 : i32
    %sign3A_45 = arith.cmpi sgt, %select_n3A_41, %sign3A_44 : i32
    %sign3A_46 = arith.extui %sign3A_45 : i1 to i32
    %sign3A_47 = arith.constant 0 : i32
    %sign3A_48 = arith.cmpi slt, %select_n3A_41, %sign3A_47 : i32
    %sign3A_49 = arith.extui %sign3A_48 : i1 to i32
    %sign3A_50 = arith.subi %sign3A_46, %sign3A_49 : i32
    %sign3A_51 = arith.constant 0 : i32
    %sign3A_52 = arith.cmpi sgt, %jit3A_42, %sign3A_51 : i32
    %sign3A_53 = arith.extui %sign3A_52 : i1 to i32
    %sign3A_54 = arith.constant 0 : i32
    %sign3A_55 = arith.cmpi slt, %jit3A_42, %sign3A_54 : i32
    %sign3A_56 = arith.extui %sign3A_55 : i1 to i32
    %sign3A_57 = arith.subi %sign3A_53, %sign3A_56 : i32
    %ne3A_58 = arith.cmpi ne, %sign3A_50, %sign3A_57 : i32
    %rem3A_59 = arith.remsi %select_n3A_41, %jit3A_42 : i32
    %ne3A_60 = arith.constant 0 : i32
    %ne3A_61 = arith.cmpi ne, %rem3A_59, %ne3A_60 : i32
    %and3A_62 = arith.andi %ne3A_58, %ne3A_61 : i1
    %sub3A_63 = arith.constant 1 : i32
    %sub3A_64 = arith.subi %div3A_43, %sub3A_63 : i32
    %select_n3A_65 = arith.select %and3A_62, %sub3A_64, %div3A_43 : i32
    %mul3A_66 = arith.constant 2048 : i32
    %mul3A_67 = arith.muli %select_n3A, %mul3A_66 : i32
    %jit3A_68 = arith.constant 2048 : i32
    %eq3A_69 = arith.constant 0 : i32
    %eq3A_70 = arith.cmpi eq, %jit3A_68, %eq3A_69 : i32
    %jit3A_71 = arith.constant 1 : i32
    %select_n3A_72 = arith.select %eq3A_70, %jit3A_71, %jit3A_68 : i32
    %rem3A_73 = arith.remsi %select_n3A_41, %select_n3A_72 : i32
    %ne3A_74 = arith.constant 0 : i32
    %ne3A_75 = arith.cmpi ne, %rem3A_73, %ne3A_74 : i32
    %lt3A_76 = arith.constant 0 : i32
    %lt3A_77 = arith.cmpi slt, %rem3A_73, %lt3A_76 : i32
    %lt3A_78 = arith.constant 0 : i32
    %lt3A_79 = arith.cmpi slt, %select_n3A_72, %lt3A_78 : i32
    %ne3A_80 = arith.xori %lt3A_77, %lt3A_79 : i1
    %and3A_81 = arith.andi %ne3A_80, %ne3A_75 : i1
    %add3A_82 = arith.addi %rem3A_73, %select_n3A_72 : i32
    %select_n3A_83 = arith.select %and3A_81, %add3A_82, %rem3A_73 : i32
    %add3A_84 = arith.addi %mul3A_67, %select_n3A_83 : i32
    %multiple_of3A = tpu.assume_multiple %add3A_84, 256 : i32
    %mul3A_85 = arith.constant 64 : i32
    %mul3A_86 = arith.muli %select_n3A_65, %mul3A_85 : i32
    %multiple_of3A_87 = tpu.assume_multiple %mul3A_86, 64 : i32
    %dma_wait3A = arith.constant 0 : i32
    %dma_wait3A_88 = arith.constant 0 : i32
    %dma_wait3A_89 = arith.constant 0 : i32
    %dma_wait3A_90 = tpu.memref_slice %arg6[%dma_wait3A, %dma_wait3A_88, %dma_wait3A_89] : memref<2x256x64xf32, #tpu.memory_space<vmem>> -> memref<1x256x64xf32, #tpu.memory_space<vmem>>
    %dma_wait3A_91 = tpu.memref_squeeze %dma_wait3A_90 : memref<1x256x64xf32, #tpu.memory_space<vmem>> -> memref<256x64xf32, #tpu.memory_space<vmem>>
    %dma_wait3A_92 = tpu.memref_slice %arg4[%multiple_of3A, %multiple_of3A_87] : memref<204800x128xf32, #tpu.memory_space<hbm>> -> memref<256x64xf32, #tpu.memory_space<hbm>>
    %dma_wait3A_93 = tpu.memref_slice %arg4[%multiple_of3A, %multiple_of3A_87] : memref<204800x128xf32, #tpu.memory_space<hbm>> -> memref<256x64xf32, #tpu.memory_space<hbm>>
    %dma_wait3A_94 = arith.constant 0 : i32
    %dma_wait3A_95 = arith.constant 0 : i32
    %dma_wait3A_96 = tpu.memref_slice %arg6[%dma_wait3A, %dma_wait3A_94, %dma_wait3A_95] : memref<2x256x64xf32, #tpu.memory_space<vmem>> -> memref<1x256x64xf32, #tpu.memory_space<vmem>>
    %dma_wait3A_97 = tpu.memref_squeeze %dma_wait3A_96 : memref<1x256x64xf32, #tpu.memory_space<vmem>> -> memref<256x64xf32, #tpu.memory_space<vmem>>
    tpu.wait_dma2 semaphore(%arg8 : memref<!tpu.dma_semaphore, #tpu.memory_space<semaphore_mem>>) src(%dma_wait3A_97 : memref<256x64xf32, #tpu.memory_space<vmem>>) dst(%dma_wait3A_93 : memref<256x64xf32, #tpu.memory_space<hbm>>)
    %add3A_98 = arith.constant 256 : i32
    %add3A_99 = arith.addi %add3A_9, %add3A_98 : i32
    %jit3A_100 = arith.constant 4096 : i32
    %div3A_101 = arith.divsi %add3A_99, %jit3A_100 : i32
    %sign3A_102 = arith.constant 0 : i32
    %sign3A_103 = arith.cmpi sgt, %add3A_99, %sign3A_102 : i32
    %sign3A_104 = arith.extui %sign3A_103 : i1 to i32
    %sign3A_105 = arith.constant 0 : i32
    %sign3A_106 = arith.cmpi slt, %add3A_99, %sign3A_105 : i32
    %sign3A_107 = arith.extui %sign3A_106 : i1 to i32
    %sign3A_108 = arith.subi %sign3A_104, %sign3A_107 : i32
    %sign3A_109 = arith.constant 0 : i32
    %sign3A_110 = arith.cmpi sgt, %jit3A_100, %sign3A_109 : i32
    %sign3A_111 = arith.extui %sign3A_110 : i1 to i32
    %sign3A_112 = arith.constant 0 : i32
    %sign3A_113 = arith.cmpi slt, %jit3A_100, %sign3A_112 : i32
    %sign3A_114 = arith.extui %sign3A_113 : i1 to i32
    %sign3A_115 = arith.subi %sign3A_111, %sign3A_114 : i32
    %ne3A_116 = arith.cmpi ne, %sign3A_108, %sign3A_115 : i32
    %rem3A_117 = arith.remsi %add3A_99, %jit3A_100 : i32
    %ne3A_118 = arith.constant 0 : i32
    %ne3A_119 = arith.cmpi ne, %rem3A_117, %ne3A_118 : i32
    %and3A_120 = arith.andi %ne3A_116, %ne3A_119 : i1
    %sub3A_121 = arith.constant 1 : i32
    %sub3A_122 = arith.subi %div3A_101, %sub3A_121 : i32
    %select_n3A_123 = arith.select %and3A_120, %sub3A_122, %div3A_101 : i32
    %jit3A_124 = arith.constant 4096 : i32
    %eq3A_125 = arith.constant 0 : i32
    %eq3A_126 = arith.cmpi eq, %jit3A_124, %eq3A_125 : i32
    %jit3A_127 = arith.constant 1 : i32
    %select_n3A_128 = arith.select %eq3A_126, %jit3A_127, %jit3A_124 : i32
    %rem3A_129 = arith.remsi %add3A_99, %select_n3A_128 : i32
    %ne3A_130 = arith.constant 0 : i32
    %ne3A_131 = arith.cmpi ne, %rem3A_129, %ne3A_130 : i32
    %lt3A_132 = arith.constant 0 : i32
    %lt3A_133 = arith.cmpi slt, %rem3A_129, %lt3A_132 : i32
    %lt3A_134 = arith.constant 0 : i32
    %lt3A_135 = arith.cmpi slt, %select_n3A_128, %lt3A_134 : i32
    %ne3A_136 = arith.xori %lt3A_133, %lt3A_135 : i1
    %and3A_137 = arith.andi %ne3A_136, %ne3A_131 : i1
    %add3A_138 = arith.addi %rem3A_129, %select_n3A_128 : i32
    %select_n3A_139 = arith.select %and3A_137, %add3A_138, %rem3A_129 : i32
    %jit3A_140 = arith.constant 2048 : i32
    %div3A_141 = arith.divsi %select_n3A_139, %jit3A_140 : i32
    %sign3A_142 = arith.constant 0 : i32
    %sign3A_143 = arith.cmpi sgt, %select_n3A_139, %sign3A_142 : i32
    %sign3A_144 = arith.extui %sign3A_143 : i1 to i32
    %sign3A_145 = arith.constant 0 : i32
    %sign3A_146 = arith.cmpi slt, %select_n3A_139, %sign3A_145 : i32
    %sign3A_147 = arith.extui %sign3A_146 : i1 to i32
    %sign3A_148 = arith.subi %sign3A_144, %sign3A_147 : i32
    %sign3A_149 = arith.constant 0 : i32
    %sign3A_150 = arith.cmpi sgt, %jit3A_140, %sign3A_149 : i32
    %sign3A_151 = arith.extui %sign3A_150 : i1 to i32
    %sign3A_152 = arith.constant 0 : i32
    %sign3A_153 = arith.cmpi slt, %jit3A_140, %sign3A_152 : i32
    %sign3A_154 = arith.extui %sign3A_153 : i1 to i32
    %sign3A_155 = arith.subi %sign3A_151, %sign3A_154 : i32
    %ne3A_156 = arith.cmpi ne, %sign3A_148, %sign3A_155 : i32
    %rem3A_157 = arith.remsi %select_n3A_139, %jit3A_140 : i32
    %ne3A_158 = arith.constant 0 : i32
    %ne3A_159 = arith.cmpi ne, %rem3A_157, %ne3A_158 : i32
    %and3A_160 = arith.andi %ne3A_156, %ne3A_159 : i1
    %sub3A_161 = arith.constant 1 : i32
    %sub3A_162 = arith.subi %div3A_141, %sub3A_161 : i32
    %select_n3A_163 = arith.select %and3A_160, %sub3A_162, %div3A_141 : i32
    %mul3A_164 = arith.constant 2048 : i32
    %mul3A_165 = arith.muli %select_n3A_123, %mul3A_164 : i32
    %jit3A_166 = arith.constant 2048 : i32
    %eq3A_167 = arith.constant 0 : i32
    %eq3A_168 = arith.cmpi eq, %jit3A_166, %eq3A_167 : i32
    %jit3A_169 = arith.constant 1 : i32
    %select_n3A_170 = arith.select %eq3A_168, %jit3A_169, %jit3A_166 : i32
    %rem3A_171 = arith.remsi %select_n3A_139, %select_n3A_170 : i32
    %ne3A_172 = arith.constant 0 : i32
    %ne3A_173 = arith.cmpi ne, %rem3A_171, %ne3A_172 : i32
    %lt3A_174 = arith.constant 0 : i32
    %lt3A_175 = arith.cmpi slt, %rem3A_171, %lt3A_174 : i32
    %lt3A_176 = arith.constant 0 : i32
    %lt3A_177 = arith.cmpi slt, %select_n3A_170, %lt3A_176 : i32
    %ne3A_178 = arith.xori %lt3A_175, %lt3A_177 : i1
    %and3A_179 = arith.andi %ne3A_178, %ne3A_173 : i1
    %add3A_180 = arith.addi %rem3A_171, %select_n3A_170 : i32
    %select_n3A_181 = arith.select %and3A_179, %add3A_180, %rem3A_171 : i32
    %add3A_182 = arith.addi %mul3A_165, %select_n3A_181 : i32
    %multiple_of3A_183 = tpu.assume_multiple %add3A_182, 256 : i32
    %mul3A_184 = arith.constant 64 : i32
    %mul3A_185 = arith.muli %select_n3A_163, %mul3A_184 : i32
    %multiple_of3A_186 = tpu.assume_multiple %mul3A_185, 64 : i32
    %dma_wait3A_187 = arith.constant 1 : i32
    %dma_wait3A_188 = arith.constant 0 : i32
    %dma_wait3A_189 = arith.constant 0 : i32
    %dma_wait3A_190 = tpu.memref_slice %arg6[%dma_wait3A_187, %dma_wait3A_188, %dma_wait3A_189] : memref<2x256x64xf32, #tpu.memory_space<vmem>> -> memref<1x256x64xf32, #tpu.memory_space<vmem>>
    %dma_wait3A_191 = tpu.memref_squeeze %dma_wait3A_190 : memref<1x256x64xf32, #tpu.memory_space<vmem>> -> memref<256x64xf32, #tpu.memory_space<vmem>>
    %dma_wait3A_192 = tpu.memref_slice %arg4[%multiple_of3A_183, %multiple_of3A_186] : memref<204800x128xf32, #tpu.memory_space<hbm>> -> memref<256x64xf32, #tpu.memory_space<hbm>>
    %dma_wait3A_193 = tpu.memref_slice %arg4[%multiple_of3A_183, %multiple_of3A_186] : memref<204800x128xf32, #tpu.memory_space<hbm>> -> memref<256x64xf32, #tpu.memory_space<hbm>>
    %dma_wait3A_194 = arith.constant 0 : i32
    %dma_wait3A_195 = arith.constant 0 : i32
    %dma_wait3A_196 = tpu.memref_slice %arg6[%dma_wait3A_187, %dma_wait3A_194, %dma_wait3A_195] : memref<2x256x64xf32, #tpu.memory_space<vmem>> -> memref<1x256x64xf32, #tpu.memory_space<vmem>>
    %dma_wait3A_197 = tpu.memref_squeeze %dma_wait3A_196 : memref<1x256x64xf32, #tpu.memory_space<vmem>> -> memref<256x64xf32, #tpu.memory_space<vmem>>
    tpu.wait_dma2 semaphore(%arg9 : memref<!tpu.dma_semaphore, #tpu.memory_space<semaphore_mem>>) src(%dma_wait3A_197 : memref<256x64xf32, #tpu.memory_space<vmem>>) dst(%dma_wait3A_193 : memref<256x64xf32, #tpu.memory_space<hbm>>)
    return
  }
}

</mosaic_0001>

<sc_bundles>
// kernel: _gather_flat.3.cloned.1.call-start
scs
__scs_entry_jumppad:
0x0: {  	(pc) =	sbr.rel $0x88, $3  }
0x1: {  	(tag) =	ssettag $0x0;
	lr =	simm.s32 $0x1  }
0x2: {  	[smem:$0x3F9F] =	sst lr;
	_ =	strace $0xD0000000  }
0x3: {  	_ = 	snop  }
0x4: {  	_ = 	snop  }
0x5: {  	_ = 	snop  }
0x6: {  	_ = 	snop  }
0x7: {  	_ = 	snop  }
__scs_overlays_trampoline_lowered:
0x8: {  	[smem:$0x3FAE] =	sst s0  }
0x9: {  	[smem:$0x3FAF] =	sst s1  }
0xa: {  	[smem:$0x3FB0] =	sst s2  }
0xb: {  	[smem:$0x3FB1] =	sst s3  }
0xc: {  	[smem:$0x3FB2] =	sst s4  }
0xd: {  	[smem:$0x3FB3] =	sst s5  }
0xe: {  	[smem:$0x3FB4] =	sst s6  }
0xf: {  	[smem:$0x3FB5] =	sst s7  }
0x10: {  	[smem:$0x3FB6] =	sst s8  }
0x11: {  	[smem:$0x3FB7] =	sst s9;
	s0 =	simm.s32 @!p0 $0x0  }
0x12: {  	s1 =	sld [smem:$0x3F9D];
	s0 =	simm.s32 @p0 $0x1  }
0x13: {  	[smem:$0x3FB8] =	sst s0;
	s0 =	simm.s32 @!p1 $0x0  }
0x14: {  	s2 =	sld [smem:$0x3F9C];
	s0 =	simm.s32 @p1 $0x1  }
0x15: {  	[smem:$0x3FB9] =	sst s0;
	s0 =	simm.s32 @!p2 $0x0  }
0x16: {  	s3 =	sld [smem:$0x3FDB];
	s0 =	simm.s32 @p2 $0x1  }
0x17: {  	s4 =	simm.s32 $0x1BF5;
	[smem:$0x3FBB] =	sst s0  }
0x18: {  	s0 =	sld [smem:$0x3F9E];
	_ =	swait.ge [sflag:s4], $0x0  }
0x19: {  	s7 =	sld [smem:$0x3F9F]  }
0x1a: {  	s8 =	sadd.s32 $0xFFFFE003, lr  }
0x1b: {  	s9 =	sadd.s32 $0xFFFFFEF7, lr;
	s5 =	simm.s32 $0xFFFFFFFF;
	p2 =	slt.u32 s8, $0xFFFFF086  }
0x1c: {  	p1 =	slt.u32 s9, $0xF7A;
	s5 =	simm.s32 @!p2 $0x0  }
0x1d: {  	s5 =	simm.s32 @p1 $0x1;
	p0 =	seq.s32 s7, s2  }
0x1e: {  	s7 =	smul.u32 @!p0 $0xF7A, s2;
	p2 =	seq.s32 @!p0 s5, $0x0  }
0x1f: {  	s9 =	smul.u32 $0xF7A, s1;
	s8 =	simm.s32 @!p0 $0x1BF5;
	p2 =	por !p2, p0  }
0x20: {  	[sflag:s8] =	ssyncset.s32 @!p0 $0xFFFFF086;
	s6 =	sadd.s32 @!p0 s3, s7;
	s7 =	simm.s32 @!p0 $0x108  }
0x21: {  	s3 =	sadd.s32 s3, s9;
	s6 =	sadd.s32 @!p0 $0x88, s6;
	s7 =	simm.s32 @p2 $0x1082  }
0x22: {  	[simem:s7], [sflag:s8] =	dma.local @!p0 [hbm:s6], $0xF7A  }
0x23: {  	s9 =	sor.u32 $0xD0000000, s2;
	s6 =	simm.s32 $0x108;
	_ =	swait.ge @!p0 [sflag:s8], $0x0  }
0x24: {  	s3 =	sadd.s32 $0x88, s3;
	s6 =	simm.s32 @!p1 $0x1082;
	[sflag:s4] =	ssyncset.s32 $0xFFFFF086  }
0x25: {  	[simem:s6], [sflag:s4] =	dma.local [hbm:s3], $0xF7A  }
0x26: {  	[smem:$0x3F9F] =	sst s1;
	(tag) =	ssettag s2;
	_ =	strace s9  }
0x27: {  	s1 =	sld [smem:$0x3FAF]  }
0x28: {  	s2 =	sld [smem:$0x3FB0]  }
0x29: {  	s4 =	sld [smem:$0x3FB2]  }
0x2a: {  	p0 =	seq.s32 s5, $0x0;
	s5 =	sld [smem:$0x3FB3]  }
0x2b: {  	s6 =	sld [smem:$0x3FB4]  }
0x2c: {  	s7 =	sld [smem:$0x3FB5]  }
0x2d: {  	s3 =	simm.s32 $0x108;
	s8 =	sld [smem:$0x3FB6]  }
0x2e: {  	s3 =	simm.s32 @!p0 $0x1082;
	s9 =	sld [smem:$0x3FB7]  }
0x2f: {  	lr =	sadd.s32 s0, s3;
	s0 =	sld [smem:$0x3FAE]  }
0x30: {  	s3 =	sld [smem:$0x3FB1]  }
0x31: {  	[smem:$0x3FBA] =	sst s10  }
0x32: {  	s10 =	sld [smem:$0x3FB8];
	_ =	sdelay $0x3  }
0x33: {  	p0 =	seq.s32 s10, $0x1;
	s10 =	sld [smem:$0x3FBA];
	_ =	sdelay $0x3  }
0x34: {  	[smem:$0x3FBA] =	sst s10  }
0x35: {  	s10 =	sld [smem:$0x3FB9];
	_ =	sdelay $0x3  }
0x36: {  	p1 =	seq.s32 s10, $0x1;
	s10 =	sld [smem:$0x3FBA];
	_ =	sdelay $0x3  }
0x37: {  	[smem:$0x3FBA] =	sst s10  }
0x38: {  	s10 =	sld [smem:$0x3FBB]  }
0x39: {  	_ = 	snop;
	(pc) =	sbr.ind lr, $3  }
0x3a: {  	_ = 	snop  }
0x3b: {  	_ = 	snop  }
0x3c: {  	p2 =	seq.s32 s10, $0x1;
	s10 =	sld [smem:$0x3FBA]  }
0x3d: {  	_ =	shalt  }
0x3e: {  	_ =	shalt  }
0x3f: {  	_ =	shalt  }
0x40: {  	_ =	shalt  }
0x41: {  	_ =	shalt  }
0x42: {  	_ =	shalt  }
0x43: {  	_ =	shalt  }
0x44: {  	_ =	shalt  }
0x45: {  	_ =	shalt  }
0x46: {  	_ =	shalt  }
0x47: {  	_ =	shalt  }
0x48: {  	_ =	shalt  }
0x49: {  	_ =	shalt  }
0x4a: {  	_ =	shalt  }
0x4b: {  	_ =	shalt  }
0x4c: {  	_ =	shalt  }
0x4d: {  	_ =	shalt  }
0x4e: {  	_ =	shalt  }
0x4f: {  	_ =	shalt  }
0x50: {  	_ =	shalt  }
0x51: {  	_ =	shalt  }
0x52: {  	_ =	shalt  }
0x53: {  	_ =	shalt  }
0x54: {  	_ =	shalt  }
0x55: {  	_ =	shalt  }
0x56: {  	_ =	shalt  }
0x57: {  	_ =	shalt  }
0x58: {  	_ =	shalt  }
0x59: {  	_ =	shalt  }
0x5a: {  	_ =	shalt  }
0x5b: {  	_ =	shalt  }
0x5c: {  	_ =	shalt  }
0x5d: {  	_ =	shalt  }
0x5e: {  	_ =	shalt  }
0x5f: {  	_ =	shalt  }
0x60: {  	_ =	shalt  }
0x61: {  	_ =	shalt  }
0x62: {  	_ =	shalt  }
0x63: {  	_ =	shalt  }
0x64: {  	_ =	shalt  }
0x65: {  	_ =	shalt  }
0x66: {  	_ =	shalt  }
0x67: {  	_ =	shalt  }
0x68: {  	_ =	shalt  }
0x69: {  	_ =	shalt  }
0x6a: {  	_ =	shalt  }
0x6b: {  	_ =	shalt  }
0x6c: {  	_ =	shalt  }
0x6d: {  	_ =	shalt  }
0x6e: {  	_ =	shalt  }
0x6f: {  	_ =	shalt  }
0x70: {  	_ =	shalt  }
0x71: {  	_ =	shalt  }
0x72: {  	_ =	shalt  }
0x73: {  	_ =	shalt  }
0x74: {  	_ =	shalt  }
0x75: {  	_ =	shalt  }
0x76: {  	_ =	shalt  }
0x77: {  	_ =	shalt  }
0x78: {  	_ =	shalt  }
0x79: {  	_ =	shalt  }
0x7a: {  	_ =	shalt  }
0x7b: {  	_ =	shalt  }
0x7c: {  	_ =	shalt  }
0x7d: {  	_ =	shalt  }
0x7e: {  	_ =	shalt  }
0x7f: {  	_ =	shalt  }
0x80: {  	_ =	shalt  }
0x81: {  	_ =	shalt  }
0x82: {  	_ =	shalt  }
0x83: {  	_ =	shalt  }
0x84: {  	_ =	shalt  }
0x85: {  	_ =	shalt  }
0x86: {  	_ =	shalt  }
0x87: {  	_ =	shalt  }
.Lfunc_end0:
.L_simem_size_0:
called_computation_lowered:
.L_overlay_start_0:
0x88: {  	s2 =	sld [smem:$0x3FD9]  }
0x89: {  	s3 =	sld [smem:$0x3FFE];
	_ =	sdelay $0x1  }
0x8a: {  	s1 =	srdreg.scid  }
0x8b: {  	s0 =	sand.u32 $0x1, s1  }
0x8c: {  	s17 =	sshll.u32 s0, $0xA;
	s2 =	sadd.s32 s3, s2  }
0x8d: {  	s2 =	sadd.s32 s2, s17  }
0x8e: {  	[smem:$0x3FC6] =	sst s2  }
0x8f: {  	_ = 	snop  }
0x90: {  	s2 =	sld [smem:$0x3FC9]  }
0x91: {  	s18 =	sld [smem:$0x3FD0];
	(tm) =	ssettm $0x1  }
0x92: {  	s4 =	sld [smem:$0x3FFB];
	_ =	sdelay $0x3  }
0x93: {  	_ =	strace s4  }
0x94: {  	s4 =	sld [smem:$0x3FFC];
	_ =	sdelay $0x3  }
0x95: {  	_ =	strace s4  }
0x96: {  	s4 =	sld [smem:$0x3FFD];
	_ =	sdelay $0x3  }
0x97: {  	_ =	strace s4  }
0x98: {  	_ =	strace $0x8FFFFFFF  }
0x99: {  	s19 =	sld [smem:$0x3FDB];
	_ =	sdelay $0x1  }
0x9a: {  	s5 =	simm.s32 $_scs_section_size  }
0x9b: {  	s6 =	simm.s32 $_size__tile_overlayer_lowered;
	s7 =	simm.s32 $_tile_overlayer_lowered  }
0x9c: {  	s22 =	simm.s32 $0x1BFF;
	s21 =	sshll.u32 s7, $0x1;
	s4 =	sadd.s32 s5, s19  }
0x9d: {  	s8 =	simm.s32 $0x0;
	s20 =	sshll.u32 s6, $0x1;
	s6 =	sadd.s32 s21, s4  }
0x9e: {  	[timem:s8], [sflag:s22] =	dma.local [hbm:s6], s20  }
0x9f: {  	_ =	swait.ge [sflag:s22], s20  }
0xa0: {  	s5 =	ssub.s32 $0x0, s20;
	[sflag:s22] =	ssyncset.done $0x0  }
0xa1: {  	[sflag:s22] =	ssyncadd.s32 s5;
	_ =	sdelay $0x1  }
0xa2: {  	s23 =	simm.s32 $0x1B8B  }
0xa3: {  	_ =	swait.ge [sflag:s23], $0x1  }
0xa4: {  	[sflag:s23] =	ssyncset.done $0x0  }
0xa5: {  	s25 =	simm.s32 $0x1B8E;
	s24 =	sld [smem:$0x3FFE];
	[sflag:s23] =	ssyncadd.s32 $0xFFFFFFFF  }
0xa6: {  	s26 =	simm.s32 $execute0_lowered;
	[smem:$0x3FD2] =	sst s25  }
0xa7: {  	s6 =	sshll.u32 s26, $0x1;
	_ =	strace $0x80000046;
	[dreg:$0x1] =	wrdreg $0xFFFFFFFF  }
0xa8: {  	s28 =	simm.s32 $_size_execute0_lowered;
	s4 =	sadd.s32 s4, s6;
	[dreg:$0x0] =	wrdreg $0x0  }
0xa9: {  	s6 =	sshll.u32 s28, $0x1;
	[dreg:$0x2] =	wrdreg s4  }
0xaa: {  	[dreg:$0x3] =	wrdreg s6  }
0xab: {  	[dreg:$0x4] =	wrdreg $0xC0  }
0xac: {  	_ =	task [dreg:s8], $0x5FFFF  }
0xad: {  	[dreg:$0x1] =	wrdreg $0xFFFFFFFF  }
0xae: {  	[dreg:$0x0] =	wrdreg $0x60  }
0xaf: {  	[dreg:$0x2] =	wrdreg s2  }
0xb0: {  	[dreg:$0x3] =	wrdreg s24  }
0xb1: {  	[dreg:$0x4] =	wrdreg s18  }
0xb2: {  	[dreg:$0x5] =	wrdreg $0x9  }
0xb3: {  	_ =	task.clear_ibuf [dreg:s8], $0x6FFFF;
	_ =	strace $0x90000046  }
0xb4: {  	s29 =	simm.s32 $0x9;
	_ =	strace $0x80000048  }
0xb5: {  	_ =	swait.ge [sflag:s29], $0x1  }
0xb6: {  	[sflag:s29] =	ssyncadd.s32 $0xFFFFFFFF  }
0xb7: {  	_ =	strace $0x90000048  }
0xb8: {  	_ =	sfence  }
0xb9: {  	s30 =	sld [smem:$0x0];
	_ =	sdelay $0x2  }
0xba: {  	s31 =	sshll.u32 s1, $0xD;
	s1 =	sshrl.u32 s1, $0x2  }
0xbb: {  	s3 =	sand.u32 $0x4000, s31;
	s1 =	sadd.s32 s1, s30  }
0xbc: {  	s0 =	sor.u32 s3, s0;
	s1 =	sshll.u32 s1, $0x11  }
0xbd: {  	s0 =	sor.u32 s1, s0  }
0xbe: {  	s0 =	sadd.s32 $0x8F2B, s0  }
0xbf: {  	[sflag:s0] =	ssyncadd.remote.s32 $0x1  }
0xc0: {  	_ =	sfence.sel $0xFFFF  }
0xc1: {  	[dreg:$0x0] =	wrdreg $0xFFFFFFFF;
	(pc) =	sbr.abs _section_cstart, $3  }
0xc2: {  	[dreg:$0x1] =	wrdreg $0xFFFFFFFF  }
0xc3: {  	_ =	task.clear_ibuf [dreg:s8], $0x2FFFF;
	_ =	strace $0x9FFFFFFF  }
0xc4: {  	(tm) =	ssettm $0x7FFFFFFF  }
0xc5: {  	_ =	shalt  }
tec
execute0_lowered:
.L_overlay_start_1:
0x0: {  	(tag) =	ssettag $0x1  }
0x1: {  	s1 =	rddreg [dreg:$0x0]  }
0x2: {  	s0 =	srdreg.scid;
	s2 =	rddreg [dreg:$0x1]  }
0x3: {  	s11 =	stileid.u32;
	s3 =	rddreg [dreg:$0x2]  }
0x4: {  	s13 =	simm.s32 $0x4;
	s14 =	simm.s32 $0x80;
	s15 =	simm.s32 $0x2200  }
0x5: {  	s16 =	simm.s32 $0x100;
	s17 =	simm.s32 $0x4200;
	s18 =	simm.s32 $0x180  }
0x6: {  	s19 =	simm.s32 $0x6200;
	s20 =	simm.s32 $0x1;
	s21 =	simm.s32 $0x40  }
0x7: {  	s22 =	simm.s32 $0x2;
	s23 =	simm.s32 $0x200;
	s24 =	simm.s32 $0x3  }
0x8: {  	s0 =	sand.u32 $0x1, s0;
	s4 =	sshll.u32 s11, $0x1;
	s28 =	smul.u32 $0x6400, s11  }
0x9: {  	s5 =	sor.u32 s0, s4;
	s6 =	ssub.s32 $0x2, s0;
	s0 =	smul.u32 $0x3200, s0  }
0xa: {  	s25 =	simm.s32 $0x0;
	s4 =	simm.s32 $0x0;
	s7 =	smul.u32 $0x3200, s5  }
0xb: {  	[smem:$0x7FF] =	sst s4;
	s8 =	smul.u32 $0xC8000, s5;
	s5 =	sshll.u32 s5, $0x10  }
0xc: {  	s9 =	sshrl.u32 s6, $0x1;
	_ =	strace $0x80000047;
	s5 =	sand.u32 $0x30000, s5  }
0xd: {  	s6 =	ssub.s32 s6, s9;
	s8 =	sand.u32 $0x1FC0000, s8;
	s10 =	sshrl.u32 s7, $0x5  }
0xe: {  	s29 =	smax.u32 s6, $0x1;
	s5 =	sor.u32 s5, s8;
	s26 =	sand.u32 $0x40, s10  }
0xf: {  	s31 =	sshrl.u32 s7, $0x3;
	[dreg:$0x4] =	wrdreg s29;
	s8 =	sor.u32 s26, s5  }
0x10: {  	s9 =	sadd.s32 s1, s31;
	s30 =	sshrl.u32 s8, $0x3;
	s8 =	sadd.s32 s0, s28  }
0x11: {  	s5 =	sadd.s32 $0x400, s2;
	s7 =	sadd.s32 s3, s30;
	s0 =	sadd.s32 $0x200, s8  }
0x12: {  	s10 =	sadd.s32 $0x1000, s7;
	s11 =	sshll.u32 s0, $0x7;
	s12 =	sshll.u32 s0, $0x6  }
.LBB2_1:
0x13: {  	[tilespmem:s4], [sflag:$0x4] =	stream.linear.gather [hbm4b:s9+s4], $0x200, $0x38;
	[tilespmem:$0x8200] =	vst v63  }
0x14: {  	_ =	swait.ge [sflag:s13], $0x200  }
0x15: {  	[sflag:s13] =	ssyncset.done $0x0  }
0x16: {  	[sflag:s13] =	ssyncadd.s32 $0xFFFFFE00  }
0x17: {  	[tilespmem:s23], [sflag:$0x1] =	stream.indirect.gather [hbm4b:s5+s14], $0x40, s4, s14, $0xb8;
	[tilespmem:$0x8200] =	vst v63  }
0x18: {  	_ = 	snop  }
0x19: {  	[tilespmem:s15], [sflag:$0x1] =	stream.indirect.gather [hbm4b:s5+s14], $0x40, s14, s14, $0xb8;
	[tilespmem:$0x8200] =	vst v63  }
0x1a: {  	_ = 	snop  }
0x1b: {  	[tilespmem:s17], [sflag:$0x1] =	stream.indirect.gather [hbm4b:s5+s14], $0x40, s16, s14, $0xb8;
	[tilespmem:$0x8200] =	vst v63  }
0x1c: {  	_ = 	snop  }
0x1d: {  	[tilespmem:s19], [sflag:$0x1] =	stream.indirect.gather [hbm4b:s5+s14], $0x40, s18, s14, $0xb8;
	[tilespmem:$0x8200] =	vst v63  }
0x1e: {  	_ =	swait.ge [sflag:s20], $0x2000  }
0x1f: {  	[sflag:s20] =	ssyncset.done $0x0  }
0x20: {  	[sflag:s20] =	ssyncadd.s32 $0xFFFFE000  }
0x21: {  	_ =	swait.ge [sflag:s20], $0x2000  }
0x22: {  	[sflag:s20] =	ssyncset.done $0x0  }
0x23: {  	[sflag:s20] =	ssyncadd.s32 $0xFFFFE000  }
0x24: {  	[hbm4b:s7+s21] =	stream.strided.scatter [tilespmem:s23], [sflag:$0x2], $0x4000, s14, s21, $0x38;
	[tilespmem:$0x8200] =	vst v63  }
0x25: {  	_ =	swait.ge [sflag:s20], $0x2000  }
0x26: {  	[sflag:s20] =	ssyncset.done $0x0  }
0x27: {  	[sflag:s20] =	ssyncadd.s32 $0xFFFFE000  }
0x28: {  	_ =	swait.ge [sflag:s20], $0x2000  }
0x29: {  	s0 =	sadd.s32 $0x200, s8;
	[sflag:s20] =	ssyncset.done $0x0  }
0x2a: {  	s2 =	sshrl.u32 s0, $0x3;
	[sflag:s20] =	ssyncadd.s32 $0xFFFFE000  }
0x2b: {  	[hbm4b:s10+s21] =	stream.strided.scatter [tilespmem:s17], [sflag:$0x3], $0x4000, s14, s21, $0x38;
	[tilespmem:$0x8200] =	vst v63  }
0x2c: {  	s2 =	sadd.s32 s1, s2  }
0x2d: {  	[tilespmem:s4], [sflag:$0x4] =	stream.linear.gather [hbm4b:s2+s4], $0x200, $0x38;
	[tilespmem:$0x8200] =	vst v63  }
0x2e: {  	_ =	swait.ge [sflag:s13], $0x200  }
0x2f: {  	[sflag:s13] =	ssyncset.done $0x0  }
0x30: {  	[sflag:s13] =	ssyncadd.s32 $0xFFFFFE00  }
0x31: {  	_ =	swait.ge [sflag:s22], $0x4000  }
0x32: {  	[sflag:s22] =	ssyncset.done $0x0  }
0x33: {  	[sflag:s22] =	ssyncadd.s32 $0xFFFFC000  }
0x34: {  	[tilespmem:s23], [sflag:$0x1] =	stream.indirect.gather [hbm4b:s5+s14], $0x40, s4, s14, $0xb8;
	[tilespmem:$0x8200] =	vst v63  }
0x35: {  	_ = 	snop  }
0x36: {  	[tilespmem:s15], [sflag:$0x1] =	stream.indirect.gather [hbm4b:s5+s14], $0x40, s14, s14, $0xb8;
	[tilespmem:$0x8200] =	vst v63  }
0x37: {  	_ =	swait.ge [sflag:s24], $0x4000  }
0x38: {  	[sflag:s24] =	ssyncset.done $0x0  }
0x39: {  	[sflag:s24] =	ssyncadd.s32 $0xFFFFC000  }
0x3a: {  	[tilespmem:s17], [sflag:$0x1] =	stream.indirect.gather [hbm4b:s5+s14], $0x40, s16, s14, $0xb8;
	[tilespmem:$0x8200] =	vst v63  }
0x3b: {  	_ = 	snop  }
0x3c: {  	[tilespmem:s19], [sflag:$0x1] =	stream.indirect.gather [hbm4b:s5+s14], $0x40, s18, s14, $0xb8;
	[tilespmem:$0x8200] =	vst v63  }
0x3d: {  	s31 =	sand.u32 $0x30000, s11;
	_ =	swait.ge [sflag:s20], $0x2000  }
0x3e: {  	s26 =	sand.u32 $0x7FFC0000, s12;
	s0 =	sshrl.u32 s0, $0x5;
	[sflag:s20] =	ssyncset.done $0x0  }
0x3f: {  	s0 =	sand.u32 $0x40, s0;
	s2 =	sor.u32 s31, s26;
	[sflag:s20] =	ssyncadd.s32 $0xFFFFE000  }
0x40: {  	s0 =	sor.u32 s0, s2;
	_ =	swait.ge [sflag:s20], $0x2000  }
0x41: {  	s0 =	sshrl.u32 s0, $0x3;
	[sflag:s20] =	ssyncset.done $0x0  }
0x42: {  	s0 =	sadd.s32 s3, s0;
	[sflag:s20] =	ssyncadd.s32 $0xFFFFE000  }
0x43: {  	[hbm4b:s0+s21] =	stream.strided.scatter [tilespmem:s23], [sflag:$0x2], $0x4000, s14, s21, $0x38;
	[tilespmem:$0x8200] =	vst v63  }
0x44: {  	_ =	swait.ge [sflag:s20], $0x2000  }
0x45: {  	[sflag:s20] =	ssyncset.done $0x0  }
0x46: {  	s30 =	simm.s32 $0x600;
	[sflag:s20] =	ssyncadd.s32 $0xFFFFE000  }
0x47: {  	s28 =	sadd.s32 $0x10000, s11;
	s29 =	sadd.s32 $0x400, s8;
	_ =	swait.ge [sflag:s20], $0x2000  }
0x48: {  	s26 =	sadd.s32 $0x8000, s12;
	s0 =	sadd.s32 $0x1000, s0;
	[sflag:s20] =	ssyncset.done $0x0  }
.LBB2_2:
0x49: {  	s6 =	sshrl.u32 s29, $0x3  }
0x4a: {  	[sflag:s20] =	ssyncadd.s32 $0xFFFFE000;
	s31 =	smov.u32 s30;
	s2 =	sadd.s32 $0x200, s30  }
0x4b: {  	[hbm4b:s0+s21] =	stream.strided.scatter [tilespmem:s17], [sflag:$0x3], $0x4000, s14, s21, $0x38;
	[tilespmem:$0x8200] =	vst v63  }
0x4c: {  	p0 =	sne.s32 s30, $0x3000;
	s0 =	sadd.s32 s1, s6  }
0x4d: {  	[tilespmem:s4], [sflag:$0x4] =	stream.linear.gather [hbm4b:s0+s4], $0x200, $0x38;
	[tilespmem:$0x8200] =	vst v63  }
0x4e: {  	_ =	swait.ge [sflag:s13], $0x200  }
0x4f: {  	[sflag:s13] =	ssyncset.done $0x0  }
0x50: {  	[sflag:s13] =	ssyncadd.s32 $0xFFFFFE00  }
0x51: {  	_ =	swait.ge [sflag:s22], $0x4000  }
0x52: {  	[sflag:s22] =	ssyncset.done $0x0  }
0x53: {  	[sflag:s22] =	ssyncadd.s32 $0xFFFFC000  }
0x54: {  	[tilespmem:s23], [sflag:$0x1] =	stream.indirect.gather [hbm4b:s5+s14], $0x40, s4, s14, $0xb8;
	[tilespmem:$0x8200] =	vst v63  }
0x55: {  	_ = 	snop  }
0x56: {  	[tilespmem:s15], [sflag:$0x1] =	stream.indirect.gather [hbm4b:s5+s14], $0x40, s14, s14, $0xb8;
	[tilespmem:$0x8200] =	vst v63  }
0x57: {  	_ =	swait.ge [sflag:s24], $0x4000  }
0x58: {  	[sflag:s24] =	ssyncset.done $0x0  }
0x59: {  	[sflag:s24] =	ssyncadd.s32 $0xFFFFC000  }
0x5a: {  	[tilespmem:s17], [sflag:$0x1] =	stream.indirect.gather [hbm4b:s5+s14], $0x40, s16, s14, $0xb8;
	[tilespmem:$0x8200] =	vst v63  }
0x5b: {  	_ = 	snop  }
0x5c: {  	[tilespmem:s19], [sflag:$0x1] =	stream.indirect.gather [hbm4b:s5+s14], $0x40, s18, s14, $0xb8;
	[tilespmem:$0x8200] =	vst v63  }
0x5d: {  	s0 =	sand.u32 $0x30000, s28;
	_ =	swait.ge [sflag:s20], $0x2000  }
0x5e: {  	s29 =	sshrl.u32 s29, $0x5;
	s6 =	sand.u32 $0x7FFC0000, s26;
	[sflag:s20] =	ssyncset.done $0x0  }
0x5f: {  	s0 =	sor.u32 s0, s6;
	s6 =	sand.u32 $0x40, s29;
	[sflag:s20] =	ssyncadd.s32 $0xFFFFE000  }
0x60: {  	s0 =	sor.u32 s6, s0;
	_ =	swait.ge [sflag:s20], $0x2000  }
0x61: {  	s0 =	sshrl.u32 s0, $0x3;
	[sflag:s20] =	ssyncset.done $0x0  }
0x62: {  	s0 =	sadd.s32 s3, s0;
	[sflag:s20] =	ssyncadd.s32 $0xFFFFE000  }
0x63: {  	[hbm4b:s0+s21] =	stream.strided.scatter [tilespmem:s23], [sflag:$0x2], $0x4000, s14, s21, $0x38;
	[tilespmem:$0x8200] =	vst v63  }
.Ltmp0:
0x64: {  	_ =	swait.ge [sflag:s20], $0x2000;
	(pc) =	sbr.rel @p0 .LBB2_2-.Ltmp0, $4  }
0x65: {  	[sflag:s20] =	ssyncset.done $0x0  }
0x66: {  	s26 =	sadd.s32 $0x8000, s26;
	[sflag:s20] =	ssyncadd.s32 $0xFFFFE000  }
0x67: {  	s30 =	smov.u32 s2;
	s28 =	sadd.s32 $0x10000, s28;
	_ =	swait.ge [sflag:s20], $0x2000  }
0x68: {  	s29 =	sadd.s32 s31, s8;
	s0 =	sadd.s32 $0x1000, s0;
	[sflag:s20] =	ssyncset.done $0x0  }
0x69: {  	s2 =	sshrl.u32 s29, $0x3;
	[sflag:s20] =	ssyncadd.s32 $0xFFFFE000  }
0x6a: {  	[hbm4b:s0+s21] =	stream.strided.scatter [tilespmem:s17], [sflag:$0x3], $0x4000, s14, s21, $0x38;
	[tilespmem:$0x8200] =	vst v63  }
0x6b: {  	s31 =	sadd.s32 s1, s2  }
0x6c: {  	[tilespmem:s4], [sflag:$0x4] =	stream.linear.gather [hbm4b:s31+s4], $0x200, $0x38;
	[tilespmem:$0x8200] =	vst v63  }
0x6d: {  	_ =	swait.ge [sflag:s13], $0x200  }
0x6e: {  	[sflag:s13] =	ssyncset.done $0x0  }
0x6f: {  	[sflag:s13] =	ssyncadd.s32 $0xFFFFFE00  }
0x70: {  	_ =	swait.ge [sflag:s22], $0x4000  }
0x71: {  	[sflag:s22] =	ssyncset.done $0x0  }
0x72: {  	[sflag:s22] =	ssyncadd.s32 $0xFFFFC000  }
0x73: {  	[tilespmem:s23], [sflag:$0x1] =	stream.indirect.gather [hbm4b:s5+s14], $0x40, s4, s14, $0xb8;
	[tilespmem:$0x8200] =	vst v63  }
0x74: {  	_ = 	snop  }
0x75: {  	[tilespmem:s15], [sflag:$0x1] =	stream.indirect.gather [hbm4b:s5+s14], $0x40, s14, s14, $0xb8;
	[tilespmem:$0x8200] =	vst v63  }
0x76: {  	_ =	swait.ge [sflag:s24], $0x4000  }
0x77: {  	[sflag:s24] =	ssyncset.done $0x0  }
0x78: {  	[sflag:s24] =	ssyncadd.s32 $0xFFFFC000  }
0x79: {  	[tilespmem:s17], [sflag:$0x1] =	stream.indirect.gather [hbm4b:s5+s14], $0x40, s16, s14, $0xb8;
	[tilespmem:$0x8200] =	vst v63  }
0x7a: {  	_ = 	snop  }
0x7b: {  	[tilespmem:s19], [sflag:$0x1] =	stream.indirect.gather [hbm4b:s5+s14], $0x40, s18, s14, $0xb8;
	[tilespmem:$0x8200] =	vst v63  }
0x7c: {  	s6 =	sshrl.u32 s29, $0x5;
	_ =	swait.ge [sflag:s20], $0x2000  }
0x7d: {  	s2 =	sand.u32 $0x30000, s28;
	s28 =	sand.u32 $0x7FFC0000, s26;
	[sflag:s20] =	ssyncset.done $0x0  }
0x7e: {  	s30 =	sand.u32 $0x40, s6;
	s0 =	sor.u32 s2, s28;
	[sflag:s20] =	ssyncadd.s32 $0xFFFFE000  }
0x7f: {  	s0 =	sor.u32 s30, s0;
	_ =	swait.ge [sflag:s20], $0x2000  }
0x80: {  	s0 =	sshrl.u32 s0, $0x3;
	[sflag:s20] =	ssyncset.done $0x0  }
0x81: {  	s0 =	sadd.s32 s3, s0;
	[sflag:s20] =	ssyncadd.s32 $0xFFFFE000  }
0x82: {  	[hbm4b:s0+s21] =	stream.strided.scatter [tilespmem:s23], [sflag:$0x2], $0x4000, s14, s21, $0x38;
	[tilespmem:$0x8200] =	vst v63  }
0x83: {  	_ =	swait.ge [sflag:s20], $0x2000  }
0x84: {  	[sflag:s20] =	ssyncset.done $0x0  }
0x85: {  	[sflag:s20] =	ssyncadd.s32 $0xFFFFE000  }
0x86: {  	_ =	swait.ge [sflag:s20], $0x2000  }
0x87: {  	[sflag:s20] =	ssyncset.done $0x0  }
0x88: {  	s0 =	sadd.s32 $0x1000, s0;
	[sflag:s20] =	ssyncadd.s32 $0xFFFFE000  }
0x89: {  	[hbm4b:s0+s21] =	stream.strided.scatter [tilespmem:s17], [sflag:$0x3], $0x4000, s14, s21, $0x38;
	[tilespmem:$0x8200] =	vst v63  }
0x8a: {  	_ =	swait.ge [sflag:s22], $0x4000  }
0x8b: {  	[sflag:s22] =	ssyncset.done $0x0  }
0x8c: {  	[sflag:s22] =	ssyncadd.s32 $0xFFFFC000  }
0x8d: {  	_ =	swait.ge [sflag:s24], $0x4000  }
0x8e: {  	s25 =	sadd.s32 $0x1, s25;
	s31 =	rddreg [dreg:$0x4]  }
0x8f: {  	p0 =	sne.s32 s25, s31  }
.Ltmp1:
0x90: {  	_ = 	snop;
	(pc) =	sbr.rel @p0 .LBB2_1-.Ltmp1, $3  }
0x91: {  	_ =	sdelay $0x1  }
0x92: {  	[sflag:s24] =	ssyncset.done $0x0  }
0x93: {  	[sflag:s24] =	ssyncadd.s32 $0xFFFFC000  }
0x94: {  	_ =	sfence.sel $0x180000  }
0x95: {  	[bflag:$0x0] =	sbarrier.arrive $0xFFFF  }
0x96: {  	_ =	strace $0x90000047  }
0x97: {  	s0 =	stileid.u32;
	[bflag:$0x2] =	sbarrier.arrive $0xFFFF  }
0x98: {  	p0 =	sne.s32 s0, $0x0;
	s0 =	rddreg [dreg:$0x3]  }
0x99: {  	s0 =	sadd.s32 @!p0 $0x100000, s0  }
0x9a: {  	[sflag:s0] =	ssyncadd.tile.s32 @!p0 $0x1;
	_ =	shalt  }
.Lfunc_end2:
_tile_overlayer_lowered:
.L_overlay_start_2:
0x9b: {  	(tag) =	ssettag $0x2  }
0x9c: {  	s0 =	rddreg [dreg:$0x0];
	s2 =	stileid.u32  }
0x9d: {  	s1 =	rddreg [dreg:$0x1];
	p0 =	sne.s32 s2, $0x0  }
0x9e: {  	s3 =	rddreg [dreg:$0x2];
	[bflag:$0x3] =	sbarrier.arrive $0xFFFF;
	s2 =	simm.s32 @!p0 $0x1C04  }
0x9f: {  	[timem:s3], [sflag:s2] =	dma.local @!p0 [hbm:s0], s1  }
0xa0: {  	s0 =	simm.s32 @!p0 $0x4  }
0xa1: {  	_ =	swait.ge @!p0 [sflag:s0], s1  }
0xa2: {  	s1 =	ssub.s32 @!p0 $0x0, s1;
	[sflag:s0] =	ssyncset.done @!p0 $0x0  }
0xa3: {  	[sflag:s0] =	ssyncadd.s32 @!p0 s1  }
0xa4: {  	[bflag:$0x3] =	sbarrier.arrive $0xFFFF  }
0xa5: {  	_ =	shalt  }

</sc_bundles>
